<compile_context>
chip_gen: v7x
topology: tpu7x:2x2x1
jax: 0.10.2.dev20260603
libtpu: 0.0.44.dev20260713+nightly
codegen_flags: <defaults>
</compile_context>

<pallas_src>
import functools

import jax
import jax.numpy as jnp
from jax import lax
from jax.experimental import pallas as pl
from jax.experimental.pallas import tpu as pltpu
from jax.experimental.pallas import tpu_sc as plsc

_B, _L, _D = 4096, 200, 32
_N = _B * _L
_IW = 128
_KD = 10
_CHUNK = _IW * _KD


def _build():
    info = plsc.get_sparse_core_info()
    nc = info.num_cores
    nw = nc * info.num_subcores
    n_per_w = _N // nw
    nblk = n_per_w // _CHUNK
    rows_per_w = n_per_w // _IW
    mesh = plsc.VectorSubcoreMesh(core_axis_name="c", subcore_axis_name="s")

    @functools.partial(
        pl.kernel,
        mesh=mesh,
        out_type=jax.ShapeDtypeStruct((_N, _D), jnp.float32),
        compiler_params=pltpu.CompilerParams(use_tc_tiling_on_sc=False),
        scratch_types=[
            pltpu.VMEM((rows_per_w, _IW), jnp.int32),
            pltpu.VMEM((_CHUNK, _D), jnp.float32),
            pltpu.VMEM((_CHUNK, _D), jnp.float32),
            pltpu.SemaphoreType.DMA,
            pltpu.SemaphoreType.DMA,
        ],
    )
    def gather(idx_hbm, table_hbm, out_hbm, idx_v, rows0, rows1, sem0, sem1):
        wid = lax.axis_index("s") * nc + lax.axis_index("c")
        row0 = wid * rows_per_w
        base0 = wid * n_per_w

        pltpu.sync_copy(idx_hbm.at[pl.ds(row0, rows_per_w)], idx_v)

        def fire(blk, rows_v, sem):
            for j in range(_KD):
                pltpu.async_copy(
                    table_hbm.at[idx_v.at[blk * _KD + j]],
                    rows_v.at[pl.ds(j * _IW, _IW)],
                    sem,
                )

        def drain(rows_v, sem):
            pltpu.make_async_copy(out_hbm.at[pl.ds(0, _CHUNK)], rows_v, sem).wait()

        def writeback(blk, rows_v):
            pltpu.sync_copy(rows_v, out_hbm.at[pl.ds(base0 + blk * _CHUNK, _CHUNK)])

        fire(0, rows0, sem0)

        def body(g2, carry):
            g = g2 * 2
            fire(g + 1, rows1, sem1)
            drain(rows0, sem0)
            writeback(g, rows0)

            @pl.when(g + 2 < nblk)
            def _():
                fire(g + 2, rows0, sem0)

            drain(rows1, sem1)
            writeback(g + 1, rows1)
            return carry

        lax.fori_loop(0, nblk // 2, body, 0)

    return gather


_gather = _build()


def kernel(x, table):
    idx = x.reshape(_N // _IW, _IW)
    out = _gather(idx, table)
    return out.reshape(_B, _L, _D)

# --- scband reference (transcript-rebuilt; emitter-appended) ---
"""Pipeline reference for scband-input-721554506437 (READ-ONLY COPY).

The authoritative reference and input builder live on the scoring server;
editing this copy changes nothing except your own understanding.
"""

import jax, jax.numpy as jnp
import numpy as np

VOCAB = 1000000
EMBED = 32
VAR_MIN = 0

def setup_inputs(seed: int = 0) -> dict:
    key = jax.random.key(seed)
    k1, k2 = jax.random.split(key)
    x = jax.random.randint(k1, (4096, 200), 0, VOCAB, dtype=jnp.int64 if jax.config.jax_enable_x64 else jnp.int32).astype(jnp.int32)
    table = jax.random.normal(k2, (VOCAB, EMBED), dtype=jnp.float32) * 0.02
    return {"x": x, "table": table}

def reference(x, table):
    # Input.forward for Discrete cls: x = x.long(); embed(x - min)
    idx = x - VAR_MIN
    out = jnp.take(table, idx, axis=0)  # [B, L, EMBED]
    return out

if __name__ == "__main__":
    import jax
    _d = setup_inputs()
    print(jax.jit(kernel)(*tuple(_d.values())))

</pallas_src>

<mosaic_0001>
#map = affine_map<(d0, d1) -> (0, 0)>
module attributes {stable_mosaic.version = 14 : i64} {
  func.func @gather(%arg0: i32, %arg1: i32, %arg2: memref<6400x128xi32, #tpu.memory_space<hbm>>, %arg3: memref<1000000x32xf32, #tpu.memory_space<hbm>>, %arg4: memref<819200x32xf32, #tpu.memory_space<hbm>>, %arg5: memref<200x128xi32, #tpu.memory_space<vmem>>, %arg6: memref<1280x32xf32, #tpu.memory_space<vmem>>, %arg7: memref<1280x32xf32, #tpu.memory_space<vmem>>, %arg8: memref<!tpu.dma_semaphore, #tpu.memory_space<semaphore_mem>>, %arg9: memref<!tpu.dma_semaphore, #tpu.memory_space<semaphore_mem>>) attributes {dimension_semantics = [#tpu.dimension_semantics<core_parallel>, #tpu.dimension_semantics<subcore_parallel>], iteration_bounds = array<i64: 2, 16>, scalar_prefetch = 0 : i64, scratch_operands = 5 : i64, tpu.core_type = #tpu.core_type<sc_vector_subcore>, window_params = [{transform_indices = #map}, {transform_indices = #map}, {transform_indices = #map}]} {
    %mul3A = arith.constant 2 : i32
    %mul3A_0 = arith.muli %arg1, %mul3A : i32
    %add3A = arith.addi %mul3A_0, %arg0 : i32
    %mul3A_1 = arith.constant 200 : i32
    %mul3A_2 = arith.muli %add3A, %mul3A_1 : i32
    %mul3A_3 = arith.constant 25600 : i32
    %mul3A_4 = arith.muli %add3A, %mul3A_3 : i32
    "tpu.region"() ({
      %run_scoped3A = tpu.sem_alloc : memref<!tpu.dma_semaphore, #tpu.memory_space<semaphore_mem>>
      %dma_start3A_109 = arith.constant 0 : i32
      %dma_start3A_110 = tpu.memref_slice %arg2[%mul3A_2, %dma_start3A_109] : memref<6400x128xi32, #tpu.memory_space<hbm>> -> memref<200x128xi32, #tpu.memory_space<hbm>>
      %dma_start3A_111 = arith.constant 0 : i32
      %dma_start3A_112 = tpu.memref_slice %arg2[%mul3A_2, %dma_start3A_111] : memref<6400x128xi32, #tpu.memory_space<hbm>> -> memref<200x128xi32, #tpu.memory_space<hbm>>
      tpu.enqueue_dma source(%dma_start3A_112 : memref<200x128xi32, #tpu.memory_space<hbm>>) target(%arg5 : memref<200x128xi32, #tpu.memory_space<vmem>>) target_semaphore(%run_scoped3A : memref<!tpu.dma_semaphore, #tpu.memory_space<semaphore_mem>>)
      %dma_wait3A = arith.constant 0 : i32
      %dma_wait3A_113 = tpu.memref_slice %arg2[%mul3A_2, %dma_wait3A] : memref<6400x128xi32, #tpu.memory_space<hbm>> -> memref<200x128xi32, #tpu.memory_space<hbm>>
      %dma_wait3A_114 = arith.constant 0 : i32
      %dma_wait3A_115 = tpu.memref_slice %arg2[%mul3A_2, %dma_wait3A_114] : memref<6400x128xi32, #tpu.memory_space<hbm>> -> memref<200x128xi32, #tpu.memory_space<hbm>>
      tpu.wait_dma2 semaphore(%run_scoped3A : memref<!tpu.dma_semaphore, #tpu.memory_space<semaphore_mem>>) src(%dma_wait3A_115 : memref<200x128xi32, #tpu.memory_space<hbm>>) dst(%arg5 : memref<200x128xi32, #tpu.memory_space<vmem>>)
      tpu.yield
    }) : () -> ()
    %dma_start3A = arith.constant 0 : i32
    %dma_start3A_5 = arith.constant 0 : i32
    %dma_start3A_6 = arith.constant 0 : i32
    %dma_start3A_7 = tpu.memref_slice %arg6[%dma_start3A_5, %dma_start3A_6] : memref<1280x32xf32, #tpu.memory_space<vmem>> -> memref<128x32xf32, #tpu.memory_space<vmem>>
    %dma_start3A_8 = arith.constant 0 : i32
    %dma_start3A_9 = tpu.memref_slice %arg5[%dma_start3A, %dma_start3A_8] : memref<200x128xi32, #tpu.memory_space<vmem>> -> memref<1x128xi32, #tpu.memory_space<vmem>>
    %dma_start3A_10 = tpu.memref_squeeze %dma_start3A_9 : memref<1x128xi32, #tpu.memory_space<vmem>> -> memref<128xi32, #tpu.memory_space<vmem>>
    %dma_start3A_11 = arith.constant 0 : i32
    %dma_start3A_12 = arith.constant 0 : i32
    %dma_start3A_13 = tpu.memref_slice %arg3[%dma_start3A_11, %dma_start3A_12] : memref<1000000x32xf32, #tpu.memory_space<hbm>> -> memref<1000000x32xf32, #tpu.memory_space<hbm>>
    tpu.enqueue_indirect_dma source(%dma_start3A_13 : memref<1000000x32xf32, #tpu.memory_space<hbm>>) target(%dma_start3A_7 : memref<128x32xf32, #tpu.memory_space<vmem>>) offsets(%dma_start3A_10 : memref<128xi32, #tpu.memory_space<vmem>>) semaphore(%arg8 : memref<!tpu.dma_semaphore, #tpu.memory_space<semaphore_mem>>)
    %dma_start3A_14 = arith.constant 1 : i32
    %dma_start3A_15 = arith.constant 128 : i32
    %dma_start3A_16 = arith.constant 0 : i32
    %dma_start3A_17 = tpu.memref_slice %arg6[%dma_start3A_15, %dma_start3A_16] : memref<1280x32xf32, #tpu.memory_space<vmem>> -> memref<128x32xf32, #tpu.memory_space<vmem>>
    %dma_start3A_18 = arith.constant 0 : i32
    %dma_start3A_19 = tpu.memref_slice %arg5[%dma_start3A_14, %dma_start3A_18] : memref<200x128xi32, #tpu.memory_space<vmem>> -> memref<1x128xi32, #tpu.memory_space<vmem>>
    %dma_start3A_20 = tpu.memref_squeeze %dma_start3A_19 : memref<1x128xi32, #tpu.memory_space<vmem>> -> memref<128xi32, #tpu.memory_space<vmem>>
    %dma_start3A_21 = arith.constant 0 : i32
    %dma_start3A_22 = arith.constant 0 : i32
    %dma_start3A_23 = tpu.memref_slice %arg3[%dma_start3A_21, %dma_start3A_22] : memref<1000000x32xf32, #tpu.memory_space<hbm>> -> memref<1000000x32xf32, #tpu.memory_space<hbm>>
    tpu.enqueue_indirect_dma source(%dma_start3A_23 : memref<1000000x32xf32, #tpu.memory_space<hbm>>) target(%dma_start3A_17 : memref<128x32xf32, #tpu.memory_space<vmem>>) offsets(%dma_start3A_20 : memref<128xi32, #tpu.memory_space<vmem>>) semaphore(%arg8 : memref<!tpu.dma_semaphore, #tpu.memory_space<semaphore_mem>>)
    %dma_start3A_24 = arith.constant 2 : i32
    %dma_start3A_25 = arith.constant 256 : i32
    %dma_start3A_26 = arith.constant 0 : i32
    %dma_start3A_27 = tpu.memref_slice %arg6[%dma_start3A_25, %dma_start3A_26] : memref<1280x32xf32, #tpu.memory_space<vmem>> -> memref<128x32xf32, #tpu.memory_space<vmem>>
    %dma_start3A_28 = arith.constant 0 : i32
    %dma_start3A_29 = tpu.memref_slice %arg5[%dma_start3A_24, %dma_start3A_28] : memref<200x128xi32, #tpu.memory_space<vmem>> -> memref<1x128xi32, #tpu.memory_space<vmem>>
    %dma_start3A_30 = tpu.memref_squeeze %dma_start3A_29 : memref<1x128xi32, #tpu.memory_space<vmem>> -> memref<128xi32, #tpu.memory_space<vmem>>
    %dma_start3A_31 = arith.constant 0 : i32
    %dma_start3A_32 = arith.constant 0 : i32
    %dma_start3A_33 = tpu.memref_slice %arg3[%dma_start3A_31, %dma_start3A_32] : memref<1000000x32xf32, #tpu.memory_space<hbm>> -> memref<1000000x32xf32, #tpu.memory_space<hbm>>
    tpu.enqueue_indirect_dma source(%dma_start3A_33 : memref<1000000x32xf32, #tpu.memory_space<hbm>>) target(%dma_start3A_27 : memref<128x32xf32, #tpu.memory_space<vmem>>) offsets(%dma_start3A_30 : memref<128xi32, #tpu.memory_space<vmem>>) semaphore(%arg8 : memref<!tpu.dma_semaphore, #tpu.memory_space<semaphore_mem>>)
    %dma_start3A_34 = arith.constant 3 : i32
    %dma_start3A_35 = arith.constant 384 : i32
    %dma_start3A_36 = arith.constant 0 : i32
    %dma_start3A_37 = tpu.memref_slice %arg6[%dma_start3A_35, %dma_start3A_36] : memref<1280x32xf32, #tpu.memory_space<vmem>> -> memref<128x32xf32, #tpu.memory_space<vmem>>
    %dma_start3A_38 = arith.constant 0 : i32
    %dma_start3A_39 = tpu.memref_slice %arg5[%dma_start3A_34, %dma_start3A_38] : memref<200x128xi32, #tpu.memory_space<vmem>> -> memref<1x128xi32, #tpu.memory_space<vmem>>
    %dma_start3A_40 = tpu.memref_squeeze %dma_start3A_39 : memref<1x128xi32, #tpu.memory_space<vmem>> -> memref<128xi32, #tpu.memory_space<vmem>>
    %dma_start3A_41 = arith.constant 0 : i32
    %dma_start3A_42 = arith.constant 0 : i32
    %dma_start3A_43 = tpu.memref_slice %arg3[%dma_start3A_41, %dma_start3A_42] : memref<1000000x32xf32, #tpu.memory_space<hbm>> -> memref<1000000x32xf32, #tpu.memory_space<hbm>>
    tpu.enqueue_indirect_dma source(%dma_start3A_43 : memref<1000000x32xf32, #tpu.memory_space<hbm>>) target(%dma_start3A_37 : memref<128x32xf32, #tpu.memory_space<vmem>>) offsets(%dma_start3A_40 : memref<128xi32, #tpu.memory_space<vmem>>) semaphore(%arg8 : memref<!tpu.dma_semaphore, #tpu.memory_space<semaphore_mem>>)
    %dma_start3A_44 = arith.constant 4 : i32
    %dma_start3A_45 = arith.constant 512 : i32
    %dma_start3A_46 = arith.constant 0 : i32
    %dma_start3A_47 = tpu.memref_slice %arg6[%dma_start3A_45, %dma_start3A_46] : memref<1280x32xf32, #tpu.memory_space<vmem>> -> memref<128x32xf32, #tpu.memory_space<vmem>>
    %dma_start3A_48 = arith.constant 0 : i32
    %dma_start3A_49 = tpu.memref_slice %arg5[%dma_start3A_44, %dma_start3A_48] : memref<200x128xi32, #tpu.memory_space<vmem>> -> memref<1x128xi32, #tpu.memory_space<vmem>>
    %dma_start3A_50 = tpu.memref_squeeze %dma_start3A_49 : memref<1x128xi32, #tpu.memory_space<vmem>> -> memref<128xi32, #tpu.memory_space<vmem>>
    %dma_start3A_51 = arith.constant 0 : i32
    %dma_start3A_52 = arith.constant 0 : i32
    %dma_start3A_53 = tpu.memref_slice %arg3[%dma_start3A_51, %dma_start3A_52] : memref<1000000x32xf32, #tpu.memory_space<hbm>> -> memref<1000000x32xf32, #tpu.memory_space<hbm>>
    tpu.enqueue_indirect_dma source(%dma_start3A_53 : memref<1000000x32xf32, #tpu.memory_space<hbm>>) target(%dma_start3A_47 : memref<128x32xf32, #tpu.memory_space<vmem>>) offsets(%dma_start3A_50 : memref<128xi32, #tpu.memory_space<vmem>>) semaphore(%arg8 : memref<!tpu.dma_semaphore, #tpu.memory_space<semaphore_mem>>)
    %dma_start3A_54 = arith.constant 5 : i32
    %dma_start3A_55 = arith.constant 640 : i32
    %dma_start3A_56 = arith.constant 0 : i32
    %dma_start3A_57 = tpu.memref_slice %arg6[%dma_start3A_55, %dma_start3A_56] : memref<1280x32xf32, #tpu.memory_space<vmem>> -> memref<128x32xf32, #tpu.memory_space<vmem>>
    %dma_start3A_58 = arith.constant 0 : i32
    %dma_start3A_59 = tpu.memref_slice %arg5[%dma_start3A_54, %dma_start3A_58] : memref<200x128xi32, #tpu.memory_space<vmem>> -> memref<1x128xi32, #tpu.memory_space<vmem>>
    %dma_start3A_60 = tpu.memref_squeeze %dma_start3A_59 : memref<1x128xi32, #tpu.memory_space<vmem>> -> memref<128xi32, #tpu.memory_space<vmem>>
    %dma_start3A_61 = arith.constant 0 : i32
    %dma_start3A_62 = arith.constant 0 : i32
    %dma_start3A_63 = tpu.memref_slice %arg3[%dma_start3A_61, %dma_start3A_62] : memref<1000000x32xf32, #tpu.memory_space<hbm>> -> memref<1000000x32xf32, #tpu.memory_space<hbm>>
    tpu.enqueue_indirect_dma source(%dma_start3A_63 : memref<1000000x32xf32, #tpu.memory_space<hbm>>) target(%dma_start3A_57 : memref<128x32xf32, #tpu.memory_space<vmem>>) offsets(%dma_start3A_60 : memref<128xi32, #tpu.memory_space<vmem>>) semaphore(%arg8 : memref<!tpu.dma_semaphore, #tpu.memory_space<semaphore_mem>>)
    %dma_start3A_64 = arith.constant 6 : i32
    %dma_start3A_65 = arith.constant 768 : i32
    %dma_start3A_66 = arith.constant 0 : i32
    %dma_start3A_67 = tpu.memref_slice %arg6[%dma_start3A_65, %dma_start3A_66] : memref<1280x32xf32, #tpu.memory_space<vmem>> -> memref<128x32xf32, #tpu.memory_space<vmem>>
    %dma_start3A_68 = arith.constant 0 : i32
    %dma_start3A_69 = tpu.memref_slice %arg5[%dma_start3A_64, %dma_start3A_68] : memref<200x128xi32, #tpu.memory_space<vmem>> -> memref<1x128xi32, #tpu.memory_space<vmem>>
    %dma_start3A_70 = tpu.memref_squeeze %dma_start3A_69 : memref<1x128xi32, #tpu.memory_space<vmem>> -> memref<128xi32, #tpu.memory_space<vmem>>
    %dma_start3A_71 = arith.constant 0 : i32
    %dma_start3A_72 = arith.constant 0 : i32
    %dma_start3A_73 = tpu.memref_slice %arg3[%dma_start3A_71, %dma_start3A_72] : memref<1000000x32xf32, #tpu.memory_space<hbm>> -> memref<1000000x32xf32, #tpu.memory_space<hbm>>
    tpu.enqueue_indirect_dma source(%dma_start3A_73 : memref<1000000x32xf32, #tpu.memory_space<hbm>>) target(%dma_start3A_67 : memref<128x32xf32, #tpu.memory_space<vmem>>) offsets(%dma_start3A_70 : memref<128xi32, #tpu.memory_space<vmem>>) semaphore(%arg8 : memref<!tpu.dma_semaphore, #tpu.memory_space<semaphore_mem>>)
    %dma_start3A_74 = arith.constant 7 : i32
    %dma_start3A_75 = arith.constant 896 : i32
    %dma_start3A_76 = arith.constant 0 : i32
    %dma_start3A_77 = tpu.memref_slice %arg6[%dma_start3A_75, %dma_start3A_76] : memref<1280x32xf32, #tpu.memory_space<vmem>> -> memref<128x32xf32, #tpu.memory_space<vmem>>
    %dma_start3A_78 = arith.constant 0 : i32
    %dma_start3A_79 = tpu.memref_slice %arg5[%dma_start3A_74, %dma_start3A_78] : memref<200x128xi32, #tpu.memory_space<vmem>> -> memref<1x128xi32, #tpu.memory_space<vmem>>
    %dma_start3A_80 = tpu.memref_squeeze %dma_start3A_79 : memref<1x128xi32, #tpu.memory_space<vmem>> -> memref<128xi32, #tpu.memory_space<vmem>>
    %dma_start3A_81 = arith.constant 0 : i32
    %dma_start3A_82 = arith.constant 0 : i32
    %dma_start3A_83 = tpu.memref_slice %arg3[%dma_start3A_81, %dma_start3A_82] : memref<1000000x32xf32, #tpu.memory_space<hbm>> -> memref<1000000x32xf32, #tpu.memory_space<hbm>>
    tpu.enqueue_indirect_dma source(%dma_start3A_83 : memref<1000000x32xf32, #tpu.memory_space<hbm>>) target(%dma_start3A_77 : memref<128x32xf32, #tpu.memory_space<vmem>>) offsets(%dma_start3A_80 : memref<128xi32, #tpu.memory_space<vmem>>) semaphore(%arg8 : memref<!tpu.dma_semaphore, #tpu.memory_space<semaphore_mem>>)
    %dma_start3A_84 = arith.constant 8 : i32
    %dma_start3A_85 = arith.constant 1024 : i32
    %dma_start3A_86 = arith.constant 0 : i32
    %dma_start3A_87 = tpu.memref_slice %arg6[%dma_start3A_85, %dma_start3A_86] : memref<1280x32xf32, #tpu.memory_space<vmem>> -> memref<128x32xf32, #tpu.memory_space<vmem>>
    %dma_start3A_88 = arith.constant 0 : i32
    %dma_start3A_89 = tpu.memref_slice %arg5[%dma_start3A_84, %dma_start3A_88] : memref<200x128xi32, #tpu.memory_space<vmem>> -> memref<1x128xi32, #tpu.memory_space<vmem>>
    %dma_start3A_90 = tpu.memref_squeeze %dma_start3A_89 : memref<1x128xi32, #tpu.memory_space<vmem>> -> memref<128xi32, #tpu.memory_space<vmem>>
    %dma_start3A_91 = arith.constant 0 : i32
    %dma_start3A_92 = arith.constant 0 : i32
    %dma_start3A_93 = tpu.memref_slice %arg3[%dma_start3A_91, %dma_start3A_92] : memref<1000000x32xf32, #tpu.memory_space<hbm>> -> memref<1000000x32xf32, #tpu.memory_space<hbm>>
    tpu.enqueue_indirect_dma source(%dma_start3A_93 : memref<1000000x32xf32, #tpu.memory_space<hbm>>) target(%dma_start3A_87 : memref<128x32xf32, #tpu.memory_space<vmem>>) offsets(%dma_start3A_90 : memref<128xi32, #tpu.memory_space<vmem>>) semaphore(%arg8 : memref<!tpu.dma_semaphore, #tpu.memory_space<semaphore_mem>>)
    %dma_start3A_94 = arith.constant 9 : i32
    %dma_start3A_95 = arith.constant 1152 : i32
    %dma_start3A_96 = arith.constant 0 : i32
    %dma_start3A_97 = tpu.memref_slice %arg6[%dma_start3A_95, %dma_start3A_96] : memref<1280x32xf32, #tpu.memory_space<vmem>> -> memref<128x32xf32, #tpu.memory_space<vmem>>
    %dma_start3A_98 = arith.constant 0 : i32
    %dma_start3A_99 = tpu.memref_slice %arg5[%dma_start3A_94, %dma_start3A_98] : memref<200x128xi32, #tpu.memory_space<vmem>> -> memref<1x128xi32, #tpu.memory_space<vmem>>
    %dma_start3A_100 = tpu.memref_squeeze %dma_start3A_99 : memref<1x128xi32, #tpu.memory_space<vmem>> -> memref<128xi32, #tpu.memory_space<vmem>>
    %dma_start3A_101 = arith.constant 0 : i32
    %dma_start3A_102 = arith.constant 0 : i32
    %dma_start3A_103 = tpu.memref_slice %arg3[%dma_start3A_101, %dma_start3A_102] : memref<1000000x32xf32, #tpu.memory_space<hbm>> -> memref<1000000x32xf32, #tpu.memory_space<hbm>>
    tpu.enqueue_indirect_dma source(%dma_start3A_103 : memref<1000000x32xf32, #tpu.memory_space<hbm>>) target(%dma_start3A_97 : memref<128x32xf32, #tpu.memory_space<vmem>>) offsets(%dma_start3A_100 : memref<128xi32, #tpu.memory_space<vmem>>) semaphore(%arg8 : memref<!tpu.dma_semaphore, #tpu.memory_space<semaphore_mem>>)
    %scan3A = arith.constant 0 : i32
    %scan3A_104 = arith.constant 0 : i32
    %scan3A_105 = arith.constant 10 : i32
    %scan3A_106 = arith.addi %scan3A_104, %scan3A_105 : i32
    %scan3A_107 = arith.constant 1 : i32
    scf.for %scan3A_109 = %scan3A_104 to %scan3A_106 step %scan3A_107  : i32 {
      %mul3A_110 = arith.constant 2 : i32
      %mul3A_111 = arith.muli %scan3A_109, %mul3A_110 : i32
      %add3A_112 = arith.constant 1 : i32
      %add3A_113 = arith.addi %mul3A_111, %add3A_112 : i32
      %mul3A_114 = arith.constant 10 : i32
      %mul3A_115 = arith.muli %add3A_113, %mul3A_114 : i32
      %add3A_116 = arith.constant 0 : i32
      %add3A_117 = arith.addi %mul3A_115, %add3A_116 : i32
      %dma_start3A_118 = arith.constant 0 : i32
      %dma_start3A_119 = arith.constant 0 : i32
      %dma_start3A_120 = tpu.memref_slice %arg7[%dma_start3A_118, %dma_start3A_119] : memref<1280x32xf32, #tpu.memory_space<vmem>> -> memref<128x32xf32, #tpu.memory_space<vmem>>
      %dma_start3A_121 = arith.constant 0 : i32
      %dma_start3A_122 = tpu.memref_slice %arg5[%add3A_117, %dma_start3A_121] : memref<200x128xi32, #tpu.memory_space<vmem>> -> memref<1x128xi32, #tpu.memory_space<vmem>>
      %dma_start3A_123 = tpu.memref_squeeze %dma_start3A_122 : memref<1x128xi32, #tpu.memory_space<vmem>> -> memref<128xi32, #tpu.memory_space<vmem>>
      %dma_start3A_124 = arith.constant 0 : i32
      %dma_start3A_125 = arith.constant 0 : i32
      %dma_start3A_126 = tpu.memref_slice %arg3[%dma_start3A_124, %dma_start3A_125] : memref<1000000x32xf32, #tpu.memory_space<hbm>> -> memref<1000000x32xf32, #tpu.memory_space<hbm>>
      tpu.enqueue_indirect_dma source(%dma_start3A_126 : memref<1000000x32xf32, #tpu.memory_space<hbm>>) target(%dma_start3A_120 : memref<128x32xf32, #tpu.memory_space<vmem>>) offsets(%dma_start3A_123 : memref<128xi32, #tpu.memory_space<vmem>>) semaphore(%arg9 : memref<!tpu.dma_semaphore, #tpu.memory_space<semaphore_mem>>)
      %mul3A_127 = arith.constant 10 : i32
      %mul3A_128 = arith.muli %add3A_113, %mul3A_127 : i32
      %add3A_129 = arith.constant 1 : i32
      %add3A_130 = arith.addi %mul3A_128, %add3A_129 : i32
      %dma_start3A_131 = arith.constant 128 : i32
      %dma_start3A_132 = arith.constant 0 : i32
      %dma_start3A_133 = tpu.memref_slice %arg7[%dma_start3A_131, %dma_start3A_132] : memref<1280x32xf32, #tpu.memory_space<vmem>> -> memref<128x32xf32, #tpu.memory_space<vmem>>
      %dma_start3A_134 = arith.constant 0 : i32
      %dma_start3A_135 = tpu.memref_slice %arg5[%add3A_130, %dma_start3A_134] : memref<200x128xi32, #tpu.memory_space<vmem>> -> memref<1x128xi32, #tpu.memory_space<vmem>>
      %dma_start3A_136 = tpu.memref_squeeze %dma_start3A_135 : memref<1x128xi32, #tpu.memory_space<vmem>> -> memref<128xi32, #tpu.memory_space<vmem>>
      %dma_start3A_137 = arith.constant 0 : i32
      %dma_start3A_138 = arith.constant 0 : i32
      %dma_start3A_139 = tpu.memref_slice %arg3[%dma_start3A_137, %dma_start3A_138] : memref<1000000x32xf32, #tpu.memory_space<hbm>> -> memref<1000000x32xf32, #tpu.memory_space<hbm>>
      tpu.enqueue_indirect_dma source(%dma_start3A_139 : memref<1000000x32xf32, #tpu.memory_space<hbm>>) target(%dma_start3A_133 : memref<128x32xf32, #tpu.memory_space<vmem>>) offsets(%dma_start3A_136 : memref<128xi32, #tpu.memory_space<vmem>>) semaphore(%arg9 : memref<!tpu.dma_semaphore, #tpu.memory_space<semaphore_mem>>)
      %mul3A_140 = arith.constant 10 : i32
      %mul3A_141 = arith.muli %add3A_113, %mul3A_140 : i32
      %add3A_142 = arith.constant 2 : i32
      %add3A_143 = arith.addi %mul3A_141, %add3A_142 : i32
      %dma_start3A_144 = arith.constant 256 : i32
      %dma_start3A_145 = arith.constant 0 : i32
      %dma_start3A_146 = tpu.memref_slice %arg7[%dma_start3A_144, %dma_start3A_145] : memref<1280x32xf32, #tpu.memory_space<vmem>> -> memref<128x32xf32, #tpu.memory_space<vmem>>
      %dma_start3A_147 = arith.constant 0 : i32
      %dma_start3A_148 = tpu.memref_slice %arg5[%add3A_143, %dma_start3A_147] : memref<200x128xi32, #tpu.memory_space<vmem>> -> memref<1x128xi32, #tpu.memory_space<vmem>>
      %dma_start3A_149 = tpu.memref_squeeze %dma_start3A_148 : memref<1x128xi32, #tpu.memory_space<vmem>> -> memref<128xi32, #tpu.memory_space<vmem>>
      %dma_start3A_150 = arith.constant 0 : i32
      %dma_start3A_151 = arith.constant 0 : i32
      %dma_start3A_152 = tpu.memref_slice %arg3[%dma_start3A_150, %dma_start3A_151] : memref<1000000x32xf32, #tpu.memory_space<hbm>> -> memref<1000000x32xf32, #tpu.memory_space<hbm>>
      tpu.enqueue_indirect_dma source(%dma_start3A_152 : memref<1000000x32xf32, #tpu.memory_space<hbm>>) target(%dma_start3A_146 : memref<128x32xf32, #tpu.memory_space<vmem>>) offsets(%dma_start3A_149 : memref<128xi32, #tpu.memory_space<vmem>>) semaphore(%arg9 : memref<!tpu.dma_semaphore, #tpu.memory_space<semaphore_mem>>)
      %mul3A_153 = arith.constant 10 : i32
      %mul3A_154 = arith.muli %add3A_113, %mul3A_153 : i32
      %add3A_155 = arith.constant 3 : i32
      %add3A_156 = arith.addi %mul3A_154, %add3A_155 : i32
      %dma_start3A_157 = arith.constant 384 : i32
      %dma_start3A_158 = arith.constant 0 : i32
      %dma_start3A_159 = tpu.memref_slice %arg7[%dma_start3A_157, %dma_start3A_158] : memref<1280x32xf32, #tpu.memory_space<vmem>> -> memref<128x32xf32, #tpu.memory_space<vmem>>
      %dma_start3A_160 = arith.constant 0 : i32
      %dma_start3A_161 = tpu.memref_slice %arg5[%add3A_156, %dma_start3A_160] : memref<200x128xi32, #tpu.memory_space<vmem>> -> memref<1x128xi32, #tpu.memory_space<vmem>>
      %dma_start3A_162 = tpu.memref_squeeze %dma_start3A_161 : memref<1x128xi32, #tpu.memory_space<vmem>> -> memref<128xi32, #tpu.memory_space<vmem>>
      %dma_start3A_163 = arith.constant 0 : i32
      %dma_start3A_164 = arith.constant 0 : i32
      %dma_start3A_165 = tpu.memref_slice %arg3[%dma_start3A_163, %dma_start3A_164] : memref<1000000x32xf32, #tpu.memory_space<hbm>> -> memref<1000000x32xf32, #tpu.memory_space<hbm>>
      tpu.enqueue_indirect_dma source(%dma_start3A_165 : memref<1000000x32xf32, #tpu.memory_space<hbm>>) target(%dma_start3A_159 : memref<128x32xf32, #tpu.memory_space<vmem>>) offsets(%dma_start3A_162 : memref<128xi32, #tpu.memory_space<vmem>>) semaphore(%arg9 : memref<!tpu.dma_semaphore, #tpu.memory_space<semaphore_mem>>)
      %mul3A_166 = arith.constant 10 : i32
      %mul3A_167 = arith.muli %add3A_113, %mul3A_166 : i32
      %add3A_168 = arith.constant 4 : i32
      %add3A_169 = arith.addi %mul3A_167, %add3A_168 : i32
      %dma_start3A_170 = arith.constant 512 : i32
      %dma_start3A_171 = arith.constant 0 : i32
      %dma_start3A_172 = tpu.memref_slice %arg7[%dma_start3A_170, %dma_start3A_171] : memref<1280x32xf32, #tpu.memory_space<vmem>> -> memref<128x32xf32, #tpu.memory_space<vmem>>
      %dma_start3A_173 = arith.constant 0 : i32
      %dma_start3A_174 = tpu.memref_slice %arg5[%add3A_169, %dma_start3A_173] : memref<200x128xi32, #tpu.memory_space<vmem>> -> memref<1x128xi32, #tpu.memory_space<vmem>>
      %dma_start3A_175 = tpu.memref_squeeze %dma_start3A_174 : memref<1x128xi32, #tpu.memory_space<vmem>> -> memref<128xi32, #tpu.memory_space<vmem>>
      %dma_start3A_176 = arith.constant 0 : i32
      %dma_start3A_177 = arith.constant 0 : i32
      %dma_start3A_178 = tpu.memref_slice %arg3[%dma_start3A_176, %dma_start3A_177] : memref<1000000x32xf32, #tpu.memory_space<hbm>> -> memref<1000000x32xf32, #tpu.memory_space<hbm>>
      tpu.enqueue_indirect_dma source(%dma_start3A_178 : memref<1000000x32xf32, #tpu.memory_space<hbm>>) target(%dma_start3A_172 : memref<128x32xf32, #tpu.memory_space<vmem>>) offsets(%dma_start3A_175 : memref<128xi32, #tpu.memory_space<vmem>>) semaphore(%arg9 : memref<!tpu.dma_semaphore, #tpu.memory_space<semaphore_mem>>)
      %mul3A_179 = arith.constant 10 : i32
      %mul3A_180 = arith.muli %add3A_113, %mul3A_179 : i32
      %add3A_181 = arith.constant 5 : i32
      %add3A_182 = arith.addi %mul3A_180, %add3A_181 : i32
      %dma_start3A_183 = arith.constant 640 : i32
      %dma_start3A_184 = arith.constant 0 : i32
      %dma_start3A_185 = tpu.memref_slice %arg7[%dma_start3A_183, %dma_start3A_184] : memref<1280x32xf32, #tpu.memory_space<vmem>> -> memref<128x32xf32, #tpu.memory_space<vmem>>
      %dma_start3A_186 = arith.constant 0 : i32
      %dma_start3A_187 = tpu.memref_slice %arg5[%add3A_182, %dma_start3A_186] : memref<200x128xi32, #tpu.memory_space<vmem>> -> memref<1x128xi32, #tpu.memory_space<vmem>>
      %dma_start3A_188 = tpu.memref_squeeze %dma_start3A_187 : memref<1x128xi32, #tpu.memory_space<vmem>> -> memref<128xi32, #tpu.memory_space<vmem>>
      %dma_start3A_189 = arith.constant 0 : i32
      %dma_start3A_190 = arith.constant 0 : i32
      %dma_start3A_191 = tpu.memref_slice %arg3[%dma_start3A_189, %dma_start3A_190] : memref<1000000x32xf32, #tpu.memory_space<hbm>> -> memref<1000000x32xf32, #tpu.memory_space<hbm>>
      tpu.enqueue_indirect_dma source(%dma_start3A_191 : memref<1000000x32xf32, #tpu.memory_space<hbm>>) target(%dma_start3A_185 : memref<128x32xf32, #tpu.memory_space<vmem>>) offsets(%dma_start3A_188 : memref<128xi32, #tpu.memory_space<vmem>>) semaphore(%arg9 : memref<!tpu.dma_semaphore, #tpu.memory_space<semaphore_mem>>)
      %mul3A_192 = arith.constant 10 : i32
      %mul3A_193 = arith.muli %add3A_113, %mul3A_192 : i32
      %add3A_194 = arith.constant 6 : i32
      %add3A_195 = arith.addi %mul3A_193, %add3A_194 : i32
      %dma_start3A_196 = arith.constant 768 : i32
      %dma_start3A_197 = arith.constant 0 : i32
      %dma_start3A_198 = tpu.memref_slice %arg7[%dma_start3A_196, %dma_start3A_197] : memref<1280x32xf32, #tpu.memory_space<vmem>> -> memref<128x32xf32, #tpu.memory_space<vmem>>
      %dma_start3A_199 = arith.constant 0 : i32
      %dma_start3A_200 = tpu.memref_slice %arg5[%add3A_195, %dma_start3A_199] : memref<200x128xi32, #tpu.memory_space<vmem>> -> memref<1x128xi32, #tpu.memory_space<vmem>>
      %dma_start3A_201 = tpu.memref_squeeze %dma_start3A_200 : memref<1x128xi32, #tpu.memory_space<vmem>> -> memref<128xi32, #tpu.memory_space<vmem>>
      %dma_start3A_202 = arith.constant 0 : i32
      %dma_start3A_203 = arith.constant 0 : i32
      %dma_start3A_204 = tpu.memref_slice %arg3[%dma_start3A_202, %dma_start3A_203] : memref<1000000x32xf32, #tpu.memory_space<hbm>> -> memref<1000000x32xf32, #tpu.memory_space<hbm>>
      tpu.enqueue_indirect_dma source(%dma_start3A_204 : memref<1000000x32xf32, #tpu.memory_space<hbm>>) target(%dma_start3A_198 : memref<128x32xf32, #tpu.memory_space<vmem>>) offsets(%dma_start3A_201 : memref<128xi32, #tpu.memory_space<vmem>>) semaphore(%arg9 : memref<!tpu.dma_semaphore, #tpu.memory_space<semaphore_mem>>)
      %mul3A_205 = arith.constant 10 : i32
      %mul3A_206 = arith.muli %add3A_113, %mul3A_205 : i32
      %add3A_207 = arith.constant 7 : i32
      %add3A_208 = arith.addi %mul3A_206, %add3A_207 : i32
      %dma_start3A_209 = arith.constant 896 : i32
      %dma_start3A_210 = arith.constant 0 : i32
      %dma_start3A_211 = tpu.memref_slice %arg7[%dma_start3A_209, %dma_start3A_210] : memref<1280x32xf32, #tpu.memory_space<vmem>> -> memref<128x32xf32, #tpu.memory_space<vmem>>
      %dma_start3A_212 = arith.constant 0 : i32
      %dma_start3A_213 = tpu.memref_slice %arg5[%add3A_208, %dma_start3A_212] : memref<200x128xi32, #tpu.memory_space<vmem>> -> memref<1x128xi32, #tpu.memory_space<vmem>>
      %dma_start3A_214 = tpu.memref_squeeze %dma_start3A_213 : memref<1x128xi32, #tpu.memory_space<vmem>> -> memref<128xi32, #tpu.memory_space<vmem>>
      %dma_start3A_215 = arith.constant 0 : i32
      %dma_start3A_216 = arith.constant 0 : i32
      %dma_start3A_217 = tpu.memref_slice %arg3[%dma_start3A_215, %dma_start3A_216] : memref<1000000x32xf32, #tpu.memory_space<hbm>> -> memref<1000000x32xf32, #tpu.memory_space<hbm>>
      tpu.enqueue_indirect_dma source(%dma_start3A_217 : memref<1000000x32xf32, #tpu.memory_space<hbm>>) target(%dma_start3A_211 : memref<128x32xf32, #tpu.memory_space<vmem>>) offsets(%dma_start3A_214 : memref<128xi32, #tpu.memory_space<vmem>>) semaphore(%arg9 : memref<!tpu.dma_semaphore, #tpu.memory_space<semaphore_mem>>)
      %mul3A_218 = arith.constant 10 : i32
      %mul3A_219 = arith.muli %add3A_113, %mul3A_218 : i32
      %add3A_220 = arith.constant 8 : i32
      %add3A_221 = arith.addi %mul3A_219, %add3A_220 : i32
      %dma_start3A_222 = arith.constant 1024 : i32
      %dma_start3A_223 = arith.constant 0 : i32
      %dma_start3A_224 = tpu.memref_slice %arg7[%dma_start3A_222, %dma_start3A_223] : memref<1280x32xf32, #tpu.memory_space<vmem>> -> memref<128x32xf32, #tpu.memory_space<vmem>>
      %dma_start3A_225 = arith.constant 0 : i32
      %dma_start3A_226 = tpu.memref_slice %arg5[%add3A_221, %dma_start3A_225] : memref<200x128xi32, #tpu.memory_space<vmem>> -> memref<1x128xi32, #tpu.memory_space<vmem>>
      %dma_start3A_227 = tpu.memref_squeeze %dma_start3A_226 : memref<1x128xi32, #tpu.memory_space<vmem>> -> memref<128xi32, #tpu.memory_space<vmem>>
      %dma_start3A_228 = arith.constant 0 : i32
      %dma_start3A_229 = arith.constant 0 : i32
      %dma_start3A_230 = tpu.memref_slice %arg3[%dma_start3A_228, %dma_start3A_229] : memref<1000000x32xf32, #tpu.memory_space<hbm>> -> memref<1000000x32xf32, #tpu.memory_space<hbm>>
      tpu.enqueue_indirect_dma source(%dma_start3A_230 : memref<1000000x32xf32, #tpu.memory_space<hbm>>) target(%dma_start3A_224 : memref<128x32xf32, #tpu.memory_space<vmem>>) offsets(%dma_start3A_227 : memref<128xi32, #tpu.memory_space<vmem>>) semaphore(%arg9 : memref<!tpu.dma_semaphore, #tpu.memory_space<semaphore_mem>>)
      %mul3A_231 = arith.constant 10 : i32
      %mul3A_232 = arith.muli %add3A_113, %mul3A_231 : i32
      %add3A_233 = arith.constant 9 : i32
      %add3A_234 = arith.addi %mul3A_232, %add3A_233 : i32
      %dma_start3A_235 = arith.constant 1152 : i32
      %dma_start3A_236 = arith.constant 0 : i32
      %dma_start3A_237 = tpu.memref_slice %arg7[%dma_start3A_235, %dma_start3A_236] : memref<1280x32xf32, #tpu.memory_space<vmem>> -> memref<128x32xf32, #tpu.memory_space<vmem>>
      %dma_start3A_238 = arith.constant 0 : i32
      %dma_start3A_239 = tpu.memref_slice %arg5[%add3A_234, %dma_start3A_238] : memref<200x128xi32, #tpu.memory_space<vmem>> -> memref<1x128xi32, #tpu.memory_space<vmem>>
      %dma_start3A_240 = tpu.memref_squeeze %dma_start3A_239 : memref<1x128xi32, #tpu.memory_space<vmem>> -> memref<128xi32, #tpu.memory_space<vmem>>
      %dma_start3A_241 = arith.constant 0 : i32
      %dma_start3A_242 = arith.constant 0 : i32
      %dma_start3A_243 = tpu.memref_slice %arg3[%dma_start3A_241, %dma_start3A_242] : memref<1000000x32xf32, #tpu.memory_space<hbm>> -> memref<1000000x32xf32, #tpu.memory_space<hbm>>
      tpu.enqueue_indirect_dma source(%dma_start3A_243 : memref<1000000x32xf32, #tpu.memory_space<hbm>>) target(%dma_start3A_237 : memref<128x32xf32, #tpu.memory_space<vmem>>) offsets(%dma_start3A_240 : memref<128xi32, #tpu.memory_space<vmem>>) semaphore(%arg9 : memref<!tpu.dma_semaphore, #tpu.memory_space<semaphore_mem>>)
      %dma_wait3A = arith.constant 0 : i32
      %dma_wait3A_244 = arith.constant 0 : i32
      %dma_wait3A_245 = tpu.memref_slice %arg4[%dma_wait3A, %dma_wait3A_244] : memref<819200x32xf32, #tpu.memory_space<hbm>> -> memref<1280x32xf32, #tpu.memory_space<hbm>>
      %dma_wait3A_246 = arith.constant 0 : i32
      %dma_wait3A_247 = arith.constant 0 : i32
      %dma_wait3A_248 = tpu.memref_slice %arg4[%dma_wait3A_246, %dma_wait3A_247] : memref<819200x32xf32, #tpu.memory_space<hbm>> -> memref<1280x32xf32, #tpu.memory_space<hbm>>
      tpu.wait_dma2 semaphore(%arg8 : memref<!tpu.dma_semaphore, #tpu.memory_space<semaphore_mem>>) src(%dma_wait3A_248 : memref<1280x32xf32, #tpu.memory_space<hbm>>) dst(%arg6 : memref<1280x32xf32, #tpu.memory_space<vmem>>)
      %mul3A_249 = arith.constant 1280 : i32
      %mul3A_250 = arith.muli %mul3A_111, %mul3A_249 : i32
      %add3A_251 = arith.addi %mul3A_4, %mul3A_250 : i32
      "tpu.region"() ({
        %run_scoped3A = tpu.sem_alloc : memref<!tpu.dma_semaphore, #tpu.memory_space<semaphore_mem>>
        %dma_start3A_267 = arith.constant 0 : i32
        %dma_start3A_268 = tpu.memref_slice %arg4[%add3A_251, %dma_start3A_267] : memref<819200x32xf32, #tpu.memory_space<hbm>> -> memref<1280x32xf32, #tpu.memory_space<hbm>>
        %dma_start3A_269 = arith.constant 0 : i32
        %dma_start3A_270 = tpu.memref_slice %arg4[%add3A_251, %dma_start3A_269] : memref<819200x32xf32, #tpu.memory_space<hbm>> -> memref<1280x32xf32, #tpu.memory_space<hbm>>
        tpu.enqueue_dma source(%arg6 : memref<1280x32xf32, #tpu.memory_space<vmem>>) target(%dma_start3A_270 : memref<1280x32xf32, #tpu.memory_space<hbm>>) target_semaphore(%run_scoped3A : memref<!tpu.dma_semaphore, #tpu.memory_space<semaphore_mem>>)
        %dma_wait3A_271 = arith.constant 0 : i32
        %dma_wait3A_272 = tpu.memref_slice %arg4[%add3A_251, %dma_wait3A_271] : memref<819200x32xf32, #tpu.memory_space<hbm>> -> memref<1280x32xf32, #tpu.memory_space<hbm>>
        %dma_wait3A_273 = arith.constant 0 : i32
        %dma_wait3A_274 = tpu.memref_slice %arg4[%add3A_251, %dma_wait3A_273] : memref<819200x32xf32, #tpu.memory_space<hbm>> -> memref<1280x32xf32, #tpu.memory_space<hbm>>
        tpu.wait_dma2 semaphore(%run_scoped3A : memref<!tpu.dma_semaphore, #tpu.memory_space<semaphore_mem>>) src(%arg6 : memref<1280x32xf32, #tpu.memory_space<vmem>>) dst(%dma_wait3A_274 : memref<1280x32xf32, #tpu.memory_space<hbm>>)
        tpu.yield
      }) : () -> ()
      %add3A_252 = arith.constant 2 : i32
      %add3A_253 = arith.addi %mul3A_111, %add3A_252 : i32
      %lt3A = arith.constant 20 : i32
      %lt3A_254 = arith.cmpi slt, %add3A_253, %lt3A : i32
      %convert_element_type3A = arith.extui %lt3A_254 : i1 to i32
      %cond3A = arith.constant 0 : i32
      %cond3A_255 = arith.cmpi ne, %convert_element_type3A, %cond3A : i32
      scf.if %cond3A_255 {
        %add3A_267 = arith.constant 2 : i32
        %add3A_268 = arith.addi %mul3A_111, %add3A_267 : i32
        %mul3A_269 = arith.constant 10 : i32
        %mul3A_270 = arith.muli %add3A_268, %mul3A_269 : i32
        %add3A_271 = arith.constant 0 : i32
        %add3A_272 = arith.addi %mul3A_270, %add3A_271 : i32
        %dma_start3A_273 = arith.constant 0 : i32
        %dma_start3A_274 = arith.constant 0 : i32
        %dma_start3A_275 = tpu.memref_slice %arg6[%dma_start3A_273, %dma_start3A_274] : memref<1280x32xf32, #tpu.memory_space<vmem>> -> memref<128x32xf32, #tpu.memory_space<vmem>>
        %dma_start3A_276 = arith.constant 0 : i32
        %dma_start3A_277 = tpu.memref_slice %arg5[%add3A_272, %dma_start3A_276] : memref<200x128xi32, #tpu.memory_space<vmem>> -> memref<1x128xi32, #tpu.memory_space<vmem>>
        %dma_start3A_278 = tpu.memref_squeeze %dma_start3A_277 : memref<1x128xi32, #tpu.memory_space<vmem>> -> memref<128xi32, #tpu.memory_space<vmem>>
        %dma_start3A_279 = arith.constant 0 : i32
        %dma_start3A_280 = arith.constant 0 : i32
        %dma_start3A_281 = tpu.memref_slice %arg3[%dma_start3A_279, %dma_start3A_280] : memref<1000000x32xf32, #tpu.memory_space<hbm>> -> memref<1000000x32xf32, #tpu.memory_space<hbm>>
        tpu.enqueue_indirect_dma source(%dma_start3A_281 : memref<1000000x32xf32, #tpu.memory_space<hbm>>) target(%dma_start3A_275 : memref<128x32xf32, #tpu.memory_space<vmem>>) offsets(%dma_start3A_278 : memref<128xi32, #tpu.memory_space<vmem>>) semaphore(%arg8 : memref<!tpu.dma_semaphore, #tpu.memory_space<semaphore_mem>>)
        %mul3A_282 = arith.constant 10 : i32
        %mul3A_283 = arith.muli %add3A_268, %mul3A_282 : i32
        %add3A_284 = arith.constant 1 : i32
        %add3A_285 = arith.addi %mul3A_283, %add3A_284 : i32
        %dma_start3A_286 = arith.constant 128 : i32
        %dma_start3A_287 = arith.constant 0 : i32
        %dma_start3A_288 = tpu.memref_slice %arg6[%dma_start3A_286, %dma_start3A_287] : memref<1280x32xf32, #tpu.memory_space<vmem>> -> memref<128x32xf32, #tpu.memory_space<vmem>>
        %dma_start3A_289 = arith.constant 0 : i32
        %dma_start3A_290 = tpu.memref_slice %arg5[%add3A_285, %dma_start3A_289] : memref<200x128xi32, #tpu.memory_space<vmem>> -> memref<1x128xi32, #tpu.memory_space<vmem>>
        %dma_start3A_291 = tpu.memref_squeeze %dma_start3A_290 : memref<1x128xi32, #tpu.memory_space<vmem>> -> memref<128xi32, #tpu.memory_space<vmem>>
        %dma_start3A_292 = arith.constant 0 : i32
        %dma_start3A_293 = arith.constant 0 : i32
        %dma_start3A_294 = tpu.memref_slice %arg3[%dma_start3A_292, %dma_start3A_293] : memref<1000000x32xf32, #tpu.memory_space<hbm>> -> memref<1000000x32xf32, #tpu.memory_space<hbm>>
        tpu.enqueue_indirect_dma source(%dma_start3A_294 : memref<1000000x32xf32, #tpu.memory_space<hbm>>) target(%dma_start3A_288 : memref<128x32xf32, #tpu.memory_space<vmem>>) offsets(%dma_start3A_291 : memref<128xi32, #tpu.memory_space<vmem>>) semaphore(%arg8 : memref<!tpu.dma_semaphore, #tpu.memory_space<semaphore_mem>>)
        %mul3A_295 = arith.constant 10 : i32
        %mul3A_296 = arith.muli %add3A_268, %mul3A_295 : i32
        %add3A_297 = arith.constant 2 : i32
        %add3A_298 = arith.addi %mul3A_296, %add3A_297 : i32
        %dma_start3A_299 = arith.constant 256 : i32
        %dma_start3A_300 = arith.constant 0 : i32
        %dma_start3A_301 = tpu.memref_slice %arg6[%dma_start3A_299, %dma_start3A_300] : memref<1280x32xf32, #tpu.memory_space<vmem>> -> memref<128x32xf32, #tpu.memory_space<vmem>>
        %dma_start3A_302 = arith.constant 0 : i32
        %dma_start3A_303 = tpu.memref_slice %arg5[%add3A_298, %dma_start3A_302] : memref<200x128xi32, #tpu.memory_space<vmem>> -> memref<1x128xi32, #tpu.memory_space<vmem>>
        %dma_start3A_304 = tpu.memref_squeeze %dma_start3A_303 : memref<1x128xi32, #tpu.memory_space<vmem>> -> memref<128xi32, #tpu.memory_space<vmem>>
        %dma_start3A_305 = arith.constant 0 : i32
        %dma_start3A_306 = arith.constant 0 : i32
        %dma_start3A_307 = tpu.memref_slice %arg3[%dma_start3A_305, %dma_start3A_306] : memref<1000000x32xf32, #tpu.memory_space<hbm>> -> memref<1000000x32xf32, #tpu.memory_space<hbm>>
        tpu.enqueue_indirect_dma source(%dma_start3A_307 : memref<1000000x32xf32, #tpu.memory_space<hbm>>) target(%dma_start3A_301 : memref<128x32xf32, #tpu.memory_space<vmem>>) offsets(%dma_start3A_304 : memref<128xi32, #tpu.memory_space<vmem>>) semaphore(%arg8 : memref<!tpu.dma_semaphore, #tpu.memory_space<semaphore_mem>>)
        %mul3A_308 = arith.constant 10 : i32
        %mul3A_309 = arith.muli %add3A_268, %mul3A_308 : i32
        %add3A_310 = arith.constant 3 : i32
        %add3A_311 = arith.addi %mul3A_309, %add3A_310 : i32
        %dma_start3A_312 = arith.constant 384 : i32
        %dma_start3A_313 = arith.constant 0 : i32
        %dma_start3A_314 = tpu.memref_slice %arg6[%dma_start3A_312, %dma_start3A_313] : memref<1280x32xf32, #tpu.memory_space<vmem>> -> memref<128x32xf32, #tpu.memory_space<vmem>>
        %dma_start3A_315 = arith.constant 0 : i32
        %dma_start3A_316 = tpu.memref_slice %arg5[%add3A_311, %dma_start3A_315] : memref<200x128xi32, #tpu.memory_space<vmem>> -> memref<1x128xi32, #tpu.memory_space<vmem>>
        %dma_start3A_317 = tpu.memref_squeeze %dma_start3A_316 : memref<1x128xi32, #tpu.memory_space<vmem>> -> memref<128xi32, #tpu.memory_space<vmem>>
        %dma_start3A_318 = arith.constant 0 : i32
        %dma_start3A_319 = arith.constant 0 : i32
        %dma_start3A_320 = tpu.memref_slice %arg3[%dma_start3A_318, %dma_start3A_319] : memref<1000000x32xf32, #tpu.memory_space<hbm>> -> memref<1000000x32xf32, #tpu.memory_space<hbm>>
        tpu.enqueue_indirect_dma source(%dma_start3A_320 : memref<1000000x32xf32, #tpu.memory_space<hbm>>) target(%dma_start3A_314 : memref<128x32xf32, #tpu.memory_space<vmem>>) offsets(%dma_start3A_317 : memref<128xi32, #tpu.memory_space<vmem>>) semaphore(%arg8 : memref<!tpu.dma_semaphore, #tpu.memory_space<semaphore_mem>>)
        %mul3A_321 = arith.constant 10 : i32
        %mul3A_322 = arith.muli %add3A_268, %mul3A_321 : i32
        %add3A_323 = arith.constant 4 : i32
        %add3A_324 = arith.addi %mul3A_322, %add3A_323 : i32
        %dma_start3A_325 = arith.constant 512 : i32
        %dma_start3A_326 = arith.constant 0 : i32
        %dma_start3A_327 = tpu.memref_slice %arg6[%dma_start3A_325, %dma_start3A_326] : memref<1280x32xf32, #tpu.memory_space<vmem>> -> memref<128x32xf32, #tpu.memory_space<vmem>>
        %dma_start3A_328 = arith.constant 0 : i32
        %dma_start3A_329 = tpu.memref_slice %arg5[%add3A_324, %dma_start3A_328] : memref<200x128xi32, #tpu.memory_space<vmem>> -> memref<1x128xi32, #tpu.memory_space<vmem>>
        %dma_start3A_330 = tpu.memref_squeeze %dma_start3A_329 : memref<1x128xi32, #tpu.memory_space<vmem>> -> memref<128xi32, #tpu.memory_space<vmem>>
        %dma_start3A_331 = arith.constant 0 : i32
        %dma_start3A_332 = arith.constant 0 : i32
        %dma_start3A_333 = tpu.memref_slice %arg3[%dma_start3A_331, %dma_start3A_332] : memref<1000000x32xf32, #tpu.memory_space<hbm>> -> memref<1000000x32xf32, #tpu.memory_space<hbm>>
        tpu.enqueue_indirect_dma source(%dma_start3A_333 : memref<1000000x32xf32, #tpu.memory_space<hbm>>) target(%dma_start3A_327 : memref<128x32xf32, #tpu.memory_space<vmem>>) offsets(%dma_start3A_330 : memref<128xi32, #tpu.memory_space<vmem>>) semaphore(%arg8 : memref<!tpu.dma_semaphore, #tpu.memory_space<semaphore_mem>>)
        %mul3A_334 = arith.constant 10 : i32
        %mul3A_335 = arith.muli %add3A_268, %mul3A_334 : i32
        %add3A_336 = arith.constant 5 : i32
        %add3A_337 = arith.addi %mul3A_335, %add3A_336 : i32
        %dma_start3A_338 = arith.constant 640 : i32
        %dma_start3A_339 = arith.constant 0 : i32
        %dma_start3A_340 = tpu.memref_slice %arg6[%dma_start3A_338, %dma_start3A_339] : memref<1280x32xf32, #tpu.memory_space<vmem>> -> memref<128x32xf32, #tpu.memory_space<vmem>>
        %dma_start3A_341 = arith.constant 0 : i32
        %dma_start3A_342 = tpu.memref_slice %arg5[%add3A_337, %dma_start3A_341] : memref<200x128xi32, #tpu.memory_space<vmem>> -> memref<1x128xi32, #tpu.memory_space<vmem>>
        %dma_start3A_343 = tpu.memref_squeeze %dma_start3A_342 : memref<1x128xi32, #tpu.memory_space<vmem>> -> memref<128xi32, #tpu.memory_space<vmem>>
        %dma_start3A_344 = arith.constant 0 : i32
        %dma_start3A_345 = arith.constant 0 : i32
        %dma_start3A_346 = tpu.memref_slice %arg3[%dma_start3A_344, %dma_start3A_345] : memref<1000000x32xf32, #tpu.memory_space<hbm>> -> memref<1000000x32xf32, #tpu.memory_space<hbm>>
        tpu.enqueue_indirect_dma source(%dma_start3A_346 : memref<1000000x32xf32, #tpu.memory_space<hbm>>) target(%dma_start3A_340 : memref<128x32xf32, #tpu.memory_space<vmem>>) offsets(%dma_start3A_343 : memref<128xi32, #tpu.memory_space<vmem>>) semaphore(%arg8 : memref<!tpu.dma_semaphore, #tpu.memory_space<semaphore_mem>>)
        %mul3A_347 = arith.constant 10 : i32
        %mul3A_348 = arith.muli %add3A_268, %mul3A_347 : i32
        %add3A_349 = arith.constant 6 : i32
        %add3A_350 = arith.addi %mul3A_348, %add3A_349 : i32
        %dma_start3A_351 = arith.constant 768 : i32
        %dma_start3A_352 = arith.constant 0 : i32
        %dma_start3A_353 = tpu.memref_slice %arg6[%dma_start3A_351, %dma_start3A_352] : memref<1280x32xf32, #tpu.memory_space<vmem>> -> memref<128x32xf32, #tpu.memory_space<vmem>>
        %dma_start3A_354 = arith.constant 0 : i32
        %dma_start3A_355 = tpu.memref_slice %arg5[%add3A_350, %dma_start3A_354] : memref<200x128xi32, #tpu.memory_space<vmem>> -> memref<1x128xi32, #tpu.memory_space<vmem>>
        %dma_start3A_356 = tpu.memref_squeeze %dma_start3A_355 : memref<1x128xi32, #tpu.memory_space<vmem>> -> memref<128xi32, #tpu.memory_space<vmem>>
        %dma_start3A_357 = arith.constant 0 : i32
        %dma_start3A_358 = arith.constant 0 : i32
        %dma_start3A_359 = tpu.memref_slice %arg3[%dma_start3A_357, %dma_start3A_358] : memref<1000000x32xf32, #tpu.memory_space<hbm>> -> memref<1000000x32xf32, #tpu.memory_space<hbm>>
        tpu.enqueue_indirect_dma source(%dma_start3A_359 : memref<1000000x32xf32, #tpu.memory_space<hbm>>) target(%dma_start3A_353 : memref<128x32xf32, #tpu.memory_space<vmem>>) offsets(%dma_start3A_356 : memref<128xi32, #tpu.memory_space<vmem>>) semaphore(%arg8 : memref<!tpu.dma_semaphore, #tpu.memory_space<semaphore_mem>>)
        %mul3A_360 = arith.constant 10 : i32
        %mul3A_361 = arith.muli %add3A_268, %mul3A_360 : i32
        %add3A_362 = arith.constant 7 : i32
        %add3A_363 = arith.addi %mul3A_361, %add3A_362 : i32
        %dma_start3A_364 = arith.constant 896 : i32
        %dma_start3A_365 = arith.constant 0 : i32
        %dma_start3A_366 = tpu.memref_slice %arg6[%dma_start3A_364, %dma_start3A_365] : memref<1280x32xf32, #tpu.memory_space<vmem>> -> memref<128x32xf32, #tpu.memory_space<vmem>>
        %dma_start3A_367 = arith.constant 0 : i32
        %dma_start3A_368 = tpu.memref_slice %arg5[%add3A_363, %dma_start3A_367] : memref<200x128xi32, #tpu.memory_space<vmem>> -> memref<1x128xi32, #tpu.memory_space<vmem>>
        %dma_start3A_369 = tpu.memref_squeeze %dma_start3A_368 : memref<1x128xi32, #tpu.memory_space<vmem>> -> memref<128xi32, #tpu.memory_space<vmem>>
        %dma_start3A_370 = arith.constant 0 : i32
        %dma_start3A_371 = arith.constant 0 : i32
        %dma_start3A_372 = tpu.memref_slice %arg3[%dma_start3A_370, %dma_start3A_371] : memref<1000000x32xf32, #tpu.memory_space<hbm>> -> memref<1000000x32xf32, #tpu.memory_space<hbm>>
        tpu.enqueue_indirect_dma source(%dma_start3A_372 : memref<1000000x32xf32, #tpu.memory_space<hbm>>) target(%dma_start3A_366 : memref<128x32xf32, #tpu.memory_space<vmem>>) offsets(%dma_start3A_369 : memref<128xi32, #tpu.memory_space<vmem>>) semaphore(%arg8 : memref<!tpu.dma_semaphore, #tpu.memory_space<semaphore_mem>>)
        %mul3A_373 = arith.constant 10 : i32
        %mul3A_374 = arith.muli %add3A_268, %mul3A_373 : i32
        %add3A_375 = arith.constant 8 : i32
        %add3A_376 = arith.addi %mul3A_374, %add3A_375 : i32
        %dma_start3A_377 = arith.constant 1024 : i32
        %dma_start3A_378 = arith.constant 0 : i32
        %dma_start3A_379 = tpu.memref_slice %arg6[%dma_start3A_377, %dma_start3A_378] : memref<1280x32xf32, #tpu.memory_space<vmem>> -> memref<128x32xf32, #tpu.memory_space<vmem>>
        %dma_start3A_380 = arith.constant 0 : i32
        %dma_start3A_381 = tpu.memref_slice %arg5[%add3A_376, %dma_start3A_380] : memref<200x128xi32, #tpu.memory_space<vmem>> -> memref<1x128xi32, #tpu.memory_space<vmem>>
        %dma_start3A_382 = tpu.memref_squeeze %dma_start3A_381 : memref<1x128xi32, #tpu.memory_space<vmem>> -> memref<128xi32, #tpu.memory_space<vmem>>
        %dma_start3A_383 = arith.constant 0 : i32
        %dma_start3A_384 = arith.constant 0 : i32
        %dma_start3A_385 = tpu.memref_slice %arg3[%dma_start3A_383, %dma_start3A_384] : memref<1000000x32xf32, #tpu.memory_space<hbm>> -> memref<1000000x32xf32, #tpu.memory_space<hbm>>
        tpu.enqueue_indirect_dma source(%dma_start3A_385 : memref<1000000x32xf32, #tpu.memory_space<hbm>>) target(%dma_start3A_379 : memref<128x32xf32, #tpu.memory_space<vmem>>) offsets(%dma_start3A_382 : memref<128xi32, #tpu.memory_space<vmem>>) semaphore(%arg8 : memref<!tpu.dma_semaphore, #tpu.memory_space<semaphore_mem>>)
        %mul3A_386 = arith.constant 10 : i32
        %mul3A_387 = arith.muli %add3A_268, %mul3A_386 : i32
        %add3A_388 = arith.constant 9 : i32
        %add3A_389 = arith.addi %mul3A_387, %add3A_388 : i32
        %dma_start3A_390 = arith.constant 1152 : i32
        %dma_start3A_391 = arith.constant 0 : i32
        %dma_start3A_392 = tpu.memref_slice %arg6[%dma_start3A_390, %dma_start3A_391] : memref<1280x32xf32, #tpu.memory_space<vmem>> -> memref<128x32xf32, #tpu.memory_space<vmem>>
        %dma_start3A_393 = arith.constant 0 : i32
        %dma_start3A_394 = tpu.memref_slice %arg5[%add3A_389, %dma_start3A_393] : memref<200x128xi32, #tpu.memory_space<vmem>> -> memref<1x128xi32, #tpu.memory_space<vmem>>
        %dma_start3A_395 = tpu.memref_squeeze %dma_start3A_394 : memref<1x128xi32, #tpu.memory_space<vmem>> -> memref<128xi32, #tpu.memory_space<vmem>>
        %dma_start3A_396 = arith.constant 0 : i32
        %dma_start3A_397 = arith.constant 0 : i32
        %dma_start3A_398 = tpu.memref_slice %arg3[%dma_start3A_396, %dma_start3A_397] : memref<1000000x32xf32, #tpu.memory_space<hbm>> -> memref<1000000x32xf32, #tpu.memory_space<hbm>>
        tpu.enqueue_indirect_dma source(%dma_start3A_398 : memref<1000000x32xf32, #tpu.memory_space<hbm>>) target(%dma_start3A_392 : memref<128x32xf32, #tpu.memory_space<vmem>>) offsets(%dma_start3A_395 : memref<128xi32, #tpu.memory_space<vmem>>) semaphore(%arg8 : memref<!tpu.dma_semaphore, #tpu.memory_space<semaphore_mem>>)
      } else {
      }
      %dma_wait3A_256 = arith.constant 0 : i32
      %dma_wait3A_257 = arith.constant 0 : i32
      %dma_wait3A_258 = tpu.memref_slice %arg4[%dma_wait3A_256, %dma_wait3A_257] : memref<819200x32xf32, #tpu.memory_space<hbm>> -> memref<1280x32xf32, #tpu.memory_space<hbm>>
      %dma_wait3A_259 = arith.constant 0 : i32
      %dma_wait3A_260 = arith.constant 0 : i32
      %dma_wait3A_261 = tpu.memref_slice %arg4[%dma_wait3A_259, %dma_wait3A_260] : memref<819200x32xf32, #tpu.memory_space<hbm>> -> memref<1280x32xf32, #tpu.memory_space<hbm>>
      tpu.wait_dma2 semaphore(%arg9 : memref<!tpu.dma_semaphore, #tpu.memory_space<semaphore_mem>>) src(%dma_wait3A_261 : memref<1280x32xf32, #tpu.memory_space<hbm>>) dst(%arg7 : memref<1280x32xf32, #tpu.memory_space<vmem>>)
      %add3A_262 = arith.constant 1 : i32
      %add3A_263 = arith.addi %mul3A_111, %add3A_262 : i32
      %mul3A_264 = arith.constant 1280 : i32
      %mul3A_265 = arith.muli %add3A_263, %mul3A_264 : i32
      %add3A_266 = arith.addi %mul3A_4, %mul3A_265 : i32
      "tpu.region"() ({
        %run_scoped3A = tpu.sem_alloc : memref<!tpu.dma_semaphore, #tpu.memory_space<semaphore_mem>>
        %dma_start3A_267 = arith.constant 0 : i32
        %dma_start3A_268 = tpu.memref_slice %arg4[%add3A_266, %dma_start3A_267] : memref<819200x32xf32, #tpu.memory_space<hbm>> -> memref<1280x32xf32, #tpu.memory_space<hbm>>
        %dma_start3A_269 = arith.constant 0 : i32
        %dma_start3A_270 = tpu.memref_slice %arg4[%add3A_266, %dma_start3A_269] : memref<819200x32xf32, #tpu.memory_space<hbm>> -> memref<1280x32xf32, #tpu.memory_space<hbm>>
        tpu.enqueue_dma source(%arg7 : memref<1280x32xf32, #tpu.memory_space<vmem>>) target(%dma_start3A_270 : memref<1280x32xf32, #tpu.memory_space<hbm>>) target_semaphore(%run_scoped3A : memref<!tpu.dma_semaphore, #tpu.memory_space<semaphore_mem>>)
        %dma_wait3A_271 = arith.constant 0 : i32
        %dma_wait3A_272 = tpu.memref_slice %arg4[%add3A_266, %dma_wait3A_271] : memref<819200x32xf32, #tpu.memory_space<hbm>> -> memref<1280x32xf32, #tpu.memory_space<hbm>>
        %dma_wait3A_273 = arith.constant 0 : i32
        %dma_wait3A_274 = tpu.memref_slice %arg4[%add3A_266, %dma_wait3A_273] : memref<819200x32xf32, #tpu.memory_space<hbm>> -> memref<1280x32xf32, #tpu.memory_space<hbm>>
        tpu.wait_dma2 semaphore(%run_scoped3A : memref<!tpu.dma_semaphore, #tpu.memory_space<semaphore_mem>>) src(%arg7 : memref<1280x32xf32, #tpu.memory_space<vmem>>) dst(%dma_wait3A_274 : memref<1280x32xf32, #tpu.memory_space<hbm>>)
        tpu.yield
      }) : () -> ()
    }
    %scan3A_108 = arith.constant 10 : i32
    return
  }
}

</mosaic_0001>

<sc_bundles>
// kernel: kernel.3.cloned.1.call-start
scs
__scs_entry_jumppad:
0x0: {  	(pc) =	sbr.rel $0x88, $3  }
0x1: {  	(tag) =	ssettag $0x0;
	lr =	simm.s32 $0x1  }
0x2: {  	[smem:$0x3F9F] =	sst lr;
	_ =	strace $0xD0000000  }
0x3: {  	_ = 	snop  }
0x4: {  	_ = 	snop  }
0x5: {  	_ = 	snop  }
0x6: {  	_ = 	snop  }
0x7: {  	_ = 	snop  }
__scs_overlays_trampoline_lowered:
0x8: {  	[smem:$0x3FAE] =	sst s0  }
0x9: {  	[smem:$0x3FAF] =	sst s1  }
0xa: {  	[smem:$0x3FB0] =	sst s2  }
0xb: {  	[smem:$0x3FB1] =	sst s3  }
0xc: {  	[smem:$0x3FB2] =	sst s4  }
0xd: {  	[smem:$0x3FB3] =	sst s5  }
0xe: {  	[smem:$0x3FB4] =	sst s6  }
0xf: {  	[smem:$0x3FB5] =	sst s7  }
0x10: {  	[smem:$0x3FB6] =	sst s8  }
0x11: {  	[smem:$0x3FB7] =	sst s9;
	s0 =	simm.s32 @!p0 $0x0  }
0x12: {  	s1 =	sld [smem:$0x3F9D];
	s0 =	simm.s32 @p0 $0x1  }
0x13: {  	[smem:$0x3FB8] =	sst s0;
	s0 =	simm.s32 @!p1 $0x0  }
0x14: {  	s2 =	sld [smem:$0x3F9C];
	s0 =	simm.s32 @p1 $0x1  }
0x15: {  	[smem:$0x3FB9] =	sst s0;
	s0 =	simm.s32 @!p2 $0x0  }
0x16: {  	s3 =	sld [smem:$0x3FDB];
	s0 =	simm.s32 @p2 $0x1  }
0x17: {  	s4 =	simm.s32 $0x1BF5;
	[smem:$0x3FBB] =	sst s0  }
0x18: {  	s0 =	sld [smem:$0x3F9E];
	_ =	swait.ge [sflag:s4], $0x0  }
0x19: {  	s7 =	sld [smem:$0x3F9F]  }
0x1a: {  	s8 =	sadd.s32 $0xFFFFE003, lr  }
0x1b: {  	s9 =	sadd.s32 $0xFFFFFEF7, lr;
	s5 =	simm.s32 $0xFFFFFFFF;
	p2 =	slt.u32 s8, $0xFFFFF086  }
0x1c: {  	p1 =	slt.u32 s9, $0xF7A;
	s5 =	simm.s32 @!p2 $0x0  }
0x1d: {  	s5 =	simm.s32 @p1 $0x1;
	p0 =	seq.s32 s7, s2  }
0x1e: {  	s7 =	smul.u32 @!p0 $0xF7A, s2;
	p2 =	seq.s32 @!p0 s5, $0x0  }
0x1f: {  	s9 =	smul.u32 $0xF7A, s1;
	s8 =	simm.s32 @!p0 $0x1BF5;
	p2 =	por !p2, p0  }
0x20: {  	[sflag:s8] =	ssyncset.s32 @!p0 $0xFFFFF086;
	s6 =	sadd.s32 @!p0 s3, s7;
	s7 =	simm.s32 @!p0 $0x108  }
0x21: {  	s3 =	sadd.s32 s3, s9;
	s6 =	sadd.s32 @!p0 $0x88, s6;
	s7 =	simm.s32 @p2 $0x1082  }
0x22: {  	[simem:s7], [sflag:s8] =	dma.local @!p0 [hbm:s6], $0xF7A  }
0x23: {  	s9 =	sor.u32 $0xD0000000, s2;
	s6 =	simm.s32 $0x108;
	_ =	swait.ge @!p0 [sflag:s8], $0x0  }
0x24: {  	s3 =	sadd.s32 $0x88, s3;
	s6 =	simm.s32 @!p1 $0x1082;
	[sflag:s4] =	ssyncset.s32 $0xFFFFF086  }
0x25: {  	[simem:s6], [sflag:s4] =	dma.local [hbm:s3], $0xF7A  }
0x26: {  	[smem:$0x3F9F] =	sst s1;
	(tag) =	ssettag s2;
	_ =	strace s9  }
0x27: {  	s1 =	sld [smem:$0x3FAF]  }
0x28: {  	s2 =	sld [smem:$0x3FB0]  }
0x29: {  	s4 =	sld [smem:$0x3FB2]  }
0x2a: {  	p0 =	seq.s32 s5, $0x0;
	s5 =	sld [smem:$0x3FB3]  }
0x2b: {  	s6 =	sld [smem:$0x3FB4]  }
0x2c: {  	s7 =	sld [smem:$0x3FB5]  }
0x2d: {  	s3 =	simm.s32 $0x108;
	s8 =	sld [smem:$0x3FB6]  }
0x2e: {  	s3 =	simm.s32 @!p0 $0x1082;
	s9 =	sld [smem:$0x3FB7]  }
0x2f: {  	lr =	sadd.s32 s0, s3;
	s0 =	sld [smem:$0x3FAE]  }
0x30: {  	s3 =	sld [smem:$0x3FB1]  }
0x31: {  	[smem:$0x3FBA] =	sst s10  }
0x32: {  	s10 =	sld [smem:$0x3FB8];
	_ =	sdelay $0x3  }
0x33: {  	p0 =	seq.s32 s10, $0x1;
	s10 =	sld [smem:$0x3FBA];
	_ =	sdelay $0x3  }
0x34: {  	[smem:$0x3FBA] =	sst s10  }
0x35: {  	s10 =	sld [smem:$0x3FB9];
	_ =	sdelay $0x3  }
0x36: {  	p1 =	seq.s32 s10, $0x1;
	s10 =	sld [smem:$0x3FBA];
	_ =	sdelay $0x3  }
0x37: {  	[smem:$0x3FBA] =	sst s10  }
0x38: {  	s10 =	sld [smem:$0x3FBB]  }
0x39: {  	_ = 	snop;
	(pc) =	sbr.ind lr, $3  }
0x3a: {  	_ = 	snop  }
0x3b: {  	_ = 	snop  }
0x3c: {  	p2 =	seq.s32 s10, $0x1;
	s10 =	sld [smem:$0x3FBA]  }
0x3d: {  	_ =	shalt  }
0x3e: {  	_ =	shalt  }
0x3f: {  	_ =	shalt  }
0x40: {  	_ =	shalt  }
0x41: {  	_ =	shalt  }
0x42: {  	_ =	shalt  }
0x43: {  	_ =	shalt  }
0x44: {  	_ =	shalt  }
0x45: {  	_ =	shalt  }
0x46: {  	_ =	shalt  }
0x47: {  	_ =	shalt  }
0x48: {  	_ =	shalt  }
0x49: {  	_ =	shalt  }
0x4a: {  	_ =	shalt  }
0x4b: {  	_ =	shalt  }
0x4c: {  	_ =	shalt  }
0x4d: {  	_ =	shalt  }
0x4e: {  	_ =	shalt  }
0x4f: {  	_ =	shalt  }
0x50: {  	_ =	shalt  }
0x51: {  	_ =	shalt  }
0x52: {  	_ =	shalt  }
0x53: {  	_ =	shalt  }
0x54: {  	_ =	shalt  }
0x55: {  	_ =	shalt  }
0x56: {  	_ =	shalt  }
0x57: {  	_ =	shalt  }
0x58: {  	_ =	shalt  }
0x59: {  	_ =	shalt  }
0x5a: {  	_ =	shalt  }
0x5b: {  	_ =	shalt  }
0x5c: {  	_ =	shalt  }
0x5d: {  	_ =	shalt  }
0x5e: {  	_ =	shalt  }
0x5f: {  	_ =	shalt  }
0x60: {  	_ =	shalt  }
0x61: {  	_ =	shalt  }
0x62: {  	_ =	shalt  }
0x63: {  	_ =	shalt  }
0x64: {  	_ =	shalt  }
0x65: {  	_ =	shalt  }
0x66: {  	_ =	shalt  }
0x67: {  	_ =	shalt  }
0x68: {  	_ =	shalt  }
0x69: {  	_ =	shalt  }
0x6a: {  	_ =	shalt  }
0x6b: {  	_ =	shalt  }
0x6c: {  	_ =	shalt  }
0x6d: {  	_ =	shalt  }
0x6e: {  	_ =	shalt  }
0x6f: {  	_ =	shalt  }
0x70: {  	_ =	shalt  }
0x71: {  	_ =	shalt  }
0x72: {  	_ =	shalt  }
0x73: {  	_ =	shalt  }
0x74: {  	_ =	shalt  }
0x75: {  	_ =	shalt  }
0x76: {  	_ =	shalt  }
0x77: {  	_ =	shalt  }
0x78: {  	_ =	shalt  }
0x79: {  	_ =	shalt  }
0x7a: {  	_ =	shalt  }
0x7b: {  	_ =	shalt  }
0x7c: {  	_ =	shalt  }
0x7d: {  	_ =	shalt  }
0x7e: {  	_ =	shalt  }
0x7f: {  	_ =	shalt  }
0x80: {  	_ =	shalt  }
0x81: {  	_ =	shalt  }
0x82: {  	_ =	shalt  }
0x83: {  	_ =	shalt  }
0x84: {  	_ =	shalt  }
0x85: {  	_ =	shalt  }
0x86: {  	_ =	shalt  }
0x87: {  	_ =	shalt  }
.Lfunc_end0:
.L_simem_size_0:
called_computation.1_lowered:
.L_overlay_start_0:
0x88: {  	s2 =	sld [smem:$0x3FD9]  }
0x89: {  	s3 =	sld [smem:$0x3FFE];
	_ =	sdelay $0x1  }
0x8a: {  	s1 =	srdreg.scid  }
0x8b: {  	s0 =	sand.u32 $0x1, s1  }
0x8c: {  	s17 =	sshll.u32 s0, $0xA;
	s2 =	sadd.s32 s3, s2  }
0x8d: {  	s2 =	sadd.s32 s2, s17  }
0x8e: {  	[smem:$0x3FC6] =	sst s2  }
0x8f: {  	_ = 	snop  }
0x90: {  	s2 =	sld [smem:$0x3FD0];
	(tm) =	ssettm $0x1  }
0x91: {  	s18 =	sld [smem:$0x3FFB];
	_ =	sdelay $0x3  }
0x92: {  	_ =	strace s18  }
0x93: {  	s3 =	sld [smem:$0x3FFC];
	_ =	sdelay $0x3  }
0x94: {  	_ =	strace s3  }
0x95: {  	s3 =	sld [smem:$0x3FFD];
	_ =	sdelay $0x3  }
0x96: {  	_ =	strace s3  }
0x97: {  	_ =	strace $0x8FFFFFFF  }
0x98: {  	s19 =	sld [smem:$0x3FDB];
	_ =	sdelay $0x1  }
0x99: {  	s4 =	simm.s32 $_scs_section_size  }
0x9a: {  	s5 =	simm.s32 $_size__tile_overlayer_lowered;
	s6 =	simm.s32 $_tile_overlayer_lowered  }
0x9b: {  	s22 =	simm.s32 $0x1BFF;
	s21 =	sshll.u32 s6, $0x1;
	s3 =	sadd.s32 s4, s19  }
0x9c: {  	s7 =	simm.s32 $0x0;
	s20 =	sshll.u32 s5, $0x1;
	s5 =	sadd.s32 s21, s3  }
0x9d: {  	[timem:s7], [sflag:s22] =	dma.local [hbm:s5], s20  }
0x9e: {  	_ =	swait.ge [sflag:s22], s20  }
0x9f: {  	s4 =	ssub.s32 $0x0, s20;
	[sflag:s22] =	ssyncset.done $0x0  }
0xa0: {  	[sflag:s22] =	ssyncadd.s32 s4;
	_ =	sdelay $0x1  }
0xa1: {  	s23 =	simm.s32 $0x1B8B  }
0xa2: {  	_ =	swait.ge [sflag:s23], $0x1  }
0xa3: {  	[sflag:s23] =	ssyncset.done $0x0  }
0xa4: {  	s25 =	simm.s32 $0x1B8E;
	s24 =	sld [smem:$0x3FFE];
	[sflag:s23] =	ssyncadd.s32 $0xFFFFFFFF  }
0xa5: {  	s26 =	simm.s32 $execute0_lowered;
	[smem:$0x3FD2] =	sst s25  }
0xa6: {  	s5 =	sshll.u32 s26, $0x1;
	_ =	strace $0x80000046;
	[dreg:$0x1] =	wrdreg $0xFFFFFFFF  }
0xa7: {  	s28 =	simm.s32 $_size_execute0_lowered;
	s3 =	sadd.s32 s3, s5;
	[dreg:$0x0] =	wrdreg $0x0  }
0xa8: {  	s5 =	sshll.u32 s28, $0x1;
	[dreg:$0x2] =	wrdreg s3  }
0xa9: {  	[dreg:$0x3] =	wrdreg s5  }
0xaa: {  	[dreg:$0x4] =	wrdreg $0xC0  }
0xab: {  	_ =	task [dreg:s7], $0x5FFFF  }
0xac: {  	[dreg:$0x1] =	wrdreg $0xFFFFFFFF  }
0xad: {  	[dreg:$0x0] =	wrdreg $0x60  }
0xae: {  	[dreg:$0x2] =	wrdreg s24  }
0xaf: {  	[dreg:$0x3] =	wrdreg s2  }
0xb0: {  	[dreg:$0x4] =	wrdreg $0x9  }
0xb1: {  	_ =	task.clear_ibuf [dreg:s7], $0x5FFFF;
	_ =	strace $0x90000046  }
0xb2: {  	s29 =	simm.s32 $0x9;
	_ =	strace $0x80000048  }
0xb3: {  	_ =	swait.ge [sflag:s29], $0x1  }
0xb4: {  	[sflag:s29] =	ssyncadd.s32 $0xFFFFFFFF  }
0xb5: {  	_ =	strace $0x90000048  }
0xb6: {  	_ =	sfence  }
0xb7: {  	s30 =	sld [smem:$0x0];
	_ =	sdelay $0x2  }
0xb8: {  	s31 =	sshll.u32 s1, $0xD;
	s1 =	sshrl.u32 s1, $0x2  }
0xb9: {  	s3 =	sand.u32 $0x4000, s31;
	s1 =	sadd.s32 s1, s30  }
0xba: {  	s0 =	sor.u32 s3, s0;
	s1 =	sshll.u32 s1, $0x11  }
0xbb: {  	s0 =	sor.u32 s1, s0  }
0xbc: {  	s0 =	sadd.s32 $0x8F2B, s0  }
0xbd: {  	[sflag:s0] =	ssyncadd.remote.s32 $0x1  }
0xbe: {  	_ =	sfence.sel $0xFFFF  }
0xbf: {  	[dreg:$0x0] =	wrdreg $0xFFFFFFFF;
	(pc) =	sbr.abs _section_cstart, $3  }
0xc0: {  	[dreg:$0x1] =	wrdreg $0xFFFFFFFF  }
0xc1: {  	_ =	task.clear_ibuf [dreg:s7], $0x2FFFF;
	_ =	strace $0x9FFFFFFF  }
0xc2: {  	(tm) =	ssettm $0x7FFFFFFF  }
0xc3: {  	_ =	shalt  }
tec
execute0_lowered:
.L_overlay_start_1:
0x0: {  	(tag) =	ssettag $0x1  }
0x1: {  	s0 =	srdreg.scid;
	s1 =	rddreg [dreg:$0x0]  }
0x2: {  	s11 =	stileid.u32;
	s4 =	rddreg [dreg:$0x1]  }
0x3: {  	s29 =	simm.s32 $0x10400;
	s31 =	simm.s32 $0x11400;
	s12 =	simm.s32 $0x14400  }
0x4: {  	s14 =	simm.s32 $0x15400;
	s16 =	simm.s32 $0x16400;
	s18 =	simm.s32 $0x17400  }
0x5: {  	s20 =	simm.s32 $0x18400;
	s13 =	simm.s32 $0x19400;
	s8 =	smul.u32 $0xC800, s11  }
0x6: {  	s0 =	sand.u32 $0x1, s0;
	s2 =	sshll.u32 s11, $0x1;
	s22 =	smul.u32 $0x32000, s11  }
0x7: {  	s17 =	simm.s32 $0x9400;
	s3 =	sor.u32 s0, s2;
	s10 =	smul.u32 $0x6400, s0  }
0x8: {  	s2 =	simm.s32 $0x0;
	s7 =	ssub.s32 $0x2, s0;
	s0 =	smul.u32 $0x19000, s0  }
0x9: {  	s19 =	simm.s32 $0xA400;
	s5 =	smul.u32 $0xC80, s3;
	[smem:$0x7FF] =	sst s2  }
0xa: {  	s6 =	smul.u32 $0x19000, s3;
	s9 =	sshrl.u32 s7, $0x1;
	s3 =	sadd.s32 $0xF42E00, s1  }
0xb: {  	s24 =	sadd.s32 s22, s4;
	s22 =	simm.s32 $0x1;
	_ =	strace $0x80000047  }
0xc: {  	s21 =	ssub.s32 s7, s9;
	s23 =	sadd.s32 s10, s8;
	s0 =	sadd.s32 s0, s24  }
0xd: {  	s8 =	simm.s32 $0x3;
	s9 =	simm.s32 $0x80;
	s10 =	simm.s32 $0x6400  }
0xe: {  	s24 =	simm.s32 $0x2;
	s5 =	sadd.s32 s5, s1;
	s1 =	smax.u32 s21, $0x1  }
0xf: {  	s6 =	sadd.s32 s4, s6;
	[dreg:$0x3] =	wrdreg s0;
	s0 =	simm.s32 $0x13400  }
0x10: {  	s21 =	simm.s32 $0xB400;
	s5 =	sadd.s32 $0xA00, s5;
	[dreg:$0x6] =	wrdreg s1  }
0x11: {  	s26 =	sadd.s32 $0x16800, s6;
	[dreg:$0x5] =	wrdreg s5;
	s5 =	sshll.u32 s23, $0x2  }
0x12: {  	s30 =	sadd.s32 $0x17C00, s6;
	[dreg:$0x7] =	wrdreg s26;
	s25 =	sadd.s32 s4, s5  }
0x13: {  	s1 =	simm.s32 $0x12400;
	[dreg:$0x8] =	wrdreg s30;
	s28 =	sadd.s32 $0x1400, s25  }
0x14: {  	s23 =	simm.s32 $0xC400;
	s5 =	simm.s32 $0x0;
	[dreg:$0x4] =	wrdreg s28  }
.LBB2_1:
0x15: {  	[dreg:$0x9] =	wrdreg s5  }
0x16: {  	s4 =	rddreg [dreg:$0x5]  }
0x17: {  	[tilespmem:s2], [sflag:$0x3] =	stream.linear.gather [hbm4b:s4+s2], $0x6400, $0x38;
	[tilespmem:$0x1A400] =	vst v63  }
0x18: {  	_ =	swait.ge [sflag:s8], $0x6400  }
0x19: {  	[sflag:s8] =	ssyncset.done $0x0  }
0x1a: {  	[sflag:s8] =	ssyncadd.s32 $0xFFFF9C00  }
0x1b: {  	[tilespmem:s10], [sflag:$0x1] =	stream.indirect.gather [hbm4b:s3+s9], $0x20, s2, s9, $0xb8;
	[tilespmem:$0x1A400] =	vst v63  }
0x1c: {  	s5 =	simm.s32 $0x7400  }
0x1d: {  	[tilespmem:s5], [sflag:$0x1] =	stream.indirect.gather [hbm4b:s3+s9], $0x20, s9, s9, $0xb8;
	[tilespmem:$0x1A400] =	vst v63  }
0x1e: {  	s7 =	simm.s32 $0x100;
	s6 =	simm.s32 $0x8400  }
0x1f: {  	[tilespmem:s6], [sflag:$0x1] =	stream.indirect.gather [hbm4b:s3+s9], $0x20, s7, s9, $0xb8;
	[tilespmem:$0x1A400] =	vst v63  }
0x20: {  	s11 =	simm.s32 $0x180;
	s7 =	simm.s32 $0x9400  }
0x21: {  	[tilespmem:s7], [sflag:$0x1] =	stream.indirect.gather [hbm4b:s3+s9], $0x20, s11, s9, $0xb8;
	[tilespmem:$0x1A400] =	vst v63  }
0x22: {  	s15 =	simm.s32 $0x200;
	s11 =	simm.s32 $0xA400  }
0x23: {  	[tilespmem:s11], [sflag:$0x1] =	stream.indirect.gather [hbm4b:s3+s9], $0x20, s15, s9, $0xb8;
	[tilespmem:$0x1A400] =	vst v63  }
0x24: {  	s25 =	simm.s32 $0x280;
	s26 =	simm.s32 $0xB400  }
0x25: {  	[tilespmem:s26], [sflag:$0x1] =	stream.indirect.gather [hbm4b:s3+s9], $0x20, s25, s9, $0xb8;
	[tilespmem:$0x1A400] =	vst v63  }
0x26: {  	s15 =	simm.s32 $0x300;
	s25 =	simm.s32 $0xC400  }
0x27: {  	[tilespmem:s25], [sflag:$0x1] =	stream.indirect.gather [hbm4b:s3+s9], $0x20, s15, s9, $0xb8;
	[tilespmem:$0x1A400] =	vst v63  }
0x28: {  	s28 =	simm.s32 $0xD400;
	s15 =	simm.s32 $0x380  }
0x29: {  	[tilespmem:s28], [sflag:$0x1] =	stream.indirect.gather [hbm4b:s3+s9], $0x20, s15, s9, $0xb8;
	[tilespmem:$0x1A400] =	vst v63  }
0x2a: {  	s30 =	simm.s32 $0xE400;
	s15 =	simm.s32 $0x400  }
0x2b: {  	[tilespmem:s30], [sflag:$0x1] =	stream.indirect.gather [hbm4b:s3+s9], $0x20, s15, s9, $0xb8;
	[tilespmem:$0x1A400] =	vst v63  }
0x2c: {  	s4 =	simm.s32 $0x480;
	s15 =	simm.s32 $0xF400  }
0x2d: {  	[tilespmem:s15], [sflag:$0x1] =	stream.indirect.gather [hbm4b:s3+s9], $0x20, s4, s9, $0xb8;
	[tilespmem:$0x1A400] =	vst v63  }
0x2e: {  	s15 =	simm.s32 $0x500  }
0x2f: {  	[tilespmem:s29], [sflag:$0x2] =	stream.indirect.gather [hbm4b:s3+s9], $0x20, s15, s9, $0xb8;
	[tilespmem:$0x1A400] =	vst v63  }
0x30: {  	s15 =	simm.s32 $0x580  }
0x31: {  	[tilespmem:s31], [sflag:$0x2] =	stream.indirect.gather [hbm4b:s3+s9], $0x20, s15, s9, $0xb8;
	[tilespmem:$0x1A400] =	vst v63  }
0x32: {  	s15 =	simm.s32 $0x600  }
0x33: {  	[tilespmem:s1], [sflag:$0x2] =	stream.indirect.gather [hbm4b:s3+s9], $0x20, s15, s9, $0xb8;
	[tilespmem:$0x1A400] =	vst v63  }
0x34: {  	s15 =	simm.s32 $0x680  }
0x35: {  	[tilespmem:s0], [sflag:$0x2] =	stream.indirect.gather [hbm4b:s3+s9], $0x20, s15, s9, $0xb8;
	[tilespmem:$0x1A400] =	vst v63  }
0x36: {  	s15 =	simm.s32 $0x700  }
0x37: {  	[tilespmem:s12], [sflag:$0x2] =	stream.indirect.gather [hbm4b:s3+s9], $0x20, s15, s9, $0xb8;
	[tilespmem:$0x1A400] =	vst v63  }
0x38: {  	s15 =	simm.s32 $0x780  }
0x39: {  	[tilespmem:s14], [sflag:$0x2] =	stream.indirect.gather [hbm4b:s3+s9], $0x20, s15, s9, $0xb8;
	[tilespmem:$0x1A400] =	vst v63  }
0x3a: {  	s15 =	simm.s32 $0x800  }
0x3b: {  	[tilespmem:s16], [sflag:$0x2] =	stream.indirect.gather [hbm4b:s3+s9], $0x20, s15, s9, $0xb8;
	[tilespmem:$0x1A400] =	vst v63  }
0x3c: {  	s15 =	simm.s32 $0x880  }
0x3d: {  	[tilespmem:s18], [sflag:$0x2] =	stream.indirect.gather [hbm4b:s3+s9], $0x20, s15, s9, $0xb8;
	[tilespmem:$0x1A400] =	vst v63  }
0x3e: {  	s15 =	simm.s32 $0x900  }
0x3f: {  	[tilespmem:s20], [sflag:$0x2] =	stream.indirect.gather [hbm4b:s3+s9], $0x20, s15, s9, $0xb8;
	[tilespmem:$0x1A400] =	vst v63  }
0x40: {  	s15 =	simm.s32 $0x980  }
0x41: {  	[tilespmem:s13], [sflag:$0x2] =	stream.indirect.gather [hbm4b:s3+s9], $0x20, s15, s9, $0xb8;
	[tilespmem:$0x1A400] =	vst v63  }
0x42: {  	_ =	swait.ge [sflag:s22], $0xA000  }
0x43: {  	s15 =	rddreg [dreg:$0x3];
	[sflag:s22] =	ssyncset.done $0x0  }
0x44: {  	[sflag:s22] =	ssyncadd.s32 $0xFFFF6000;
	s4 =	sadd.s32 $0x0, s15  }
0x45: {  	[hbm4b:s4+s2] =	stream.linear.scatter [tilespmem:s10], [sflag:$0x3], $0xA000, $0x38;
	[tilespmem:$0x1A400] =	vst v63  }
0x46: {  	_ =	swait.ge [sflag:s8], $0xA000  }
0x47: {  	[sflag:s8] =	ssyncset.done $0x0  }
0x48: {  	s15 =	simm.s32 $0xA00;
	[sflag:s8] =	ssyncadd.s32 $0xFFFF6000  }
0x49: {  	[tilespmem:s10], [sflag:$0x1] =	stream.indirect.gather [hbm4b:s3+s9], $0x20, s15, s9, $0xb8;
	[tilespmem:$0x1A400] =	vst v63  }
0x4a: {  	s15 =	simm.s32 $0xA80  }
0x4b: {  	[tilespmem:s5], [sflag:$0x1] =	stream.indirect.gather [hbm4b:s3+s9], $0x20, s15, s9, $0xb8;
	[tilespmem:$0x1A400] =	vst v63  }
0x4c: {  	s5 =	simm.s32 $0xB00  }
0x4d: {  	[tilespmem:s6], [sflag:$0x1] =	stream.indirect.gather [hbm4b:s3+s9], $0x20, s5, s9, $0xb8;
	[tilespmem:$0x1A400] =	vst v63  }
0x4e: {  	s6 =	simm.s32 $0xB80  }
0x4f: {  	[tilespmem:s7], [sflag:$0x1] =	stream.indirect.gather [hbm4b:s3+s9], $0x20, s6, s9, $0xb8;
	[tilespmem:$0x1A400] =	vst v63  }
0x50: {  	s7 =	simm.s32 $0xC00  }
0x51: {  	[tilespmem:s11], [sflag:$0x1] =	stream.indirect.gather [hbm4b:s3+s9], $0x20, s7, s9, $0xb8;
	[tilespmem:$0x1A400] =	vst v63  }
0x52: {  	s11 =	simm.s32 $0xC80  }
0x53: {  	[tilespmem:s26], [sflag:$0x1] =	stream.indirect.gather [hbm4b:s3+s9], $0x20, s11, s9, $0xb8;
	[tilespmem:$0x1A400] =	vst v63  }
0x54: {  	s26 =	simm.s32 $0xD00  }
0x55: {  	[tilespmem:s25], [sflag:$0x1] =	stream.indirect.gather [hbm4b:s3+s9], $0x20, s26, s9, $0xb8;
	[tilespmem:$0x1A400] =	vst v63  }
0x56: {  	s5 =	simm.s32 $0xD80  }
0x57: {  	[tilespmem:s28], [sflag:$0x1] =	stream.indirect.gather [hbm4b:s3+s9], $0x20, s5, s9, $0xb8;
	[tilespmem:$0x1A400] =	vst v63  }
0x58: {  	s6 =	simm.s32 $0xE00  }
0x59: {  	[tilespmem:s30], [sflag:$0x1] =	stream.indirect.gather [hbm4b:s3+s9], $0x20, s6, s9, $0xb8;
	[tilespmem:$0x1A400] =	vst v63  }
0x5a: {  	s7 =	simm.s32 $0xE80;
	s11 =	simm.s32 $0xF400  }
0x5b: {  	[tilespmem:s11], [sflag:$0x1] =	stream.indirect.gather [hbm4b:s3+s9], $0x20, s7, s9, $0xb8;
	[tilespmem:$0x1A400] =	vst v63  }
0x5c: {  	s15 =	simm.s32 $0x8400;
	_ =	swait.ge [sflag:s24], $0xA000  }
0x5d: {  	s25 =	simm.s32 $0xD400;
	s26 =	rddreg [dreg:$0x4];
	[sflag:s24] =	ssyncset.done $0x0  }
0x5e: {  	s28 =	simm.s32 $0xE400;
	[sflag:s24] =	ssyncadd.s32 $0xFFFF6000;
	s4 =	sadd.s32 $0x0, s26  }
0x5f: {  	[hbm4b:s4+s2] =	stream.linear.scatter [tilespmem:s29], [sflag:$0x3], $0xA000, $0x38;
	[tilespmem:$0x1A400] =	vst v63  }
0x60: {  	s5 =	simm.s32 $0xA00;
	s30 =	simm.s32 $0xF400;
	_ =	swait.ge [sflag:s8], $0xA000  }
0x61: {  	s6 =	simm.s32 $0x5000;
	s4 =	simm.s32 $0x2800;
	[sflag:s8] =	ssyncset.done $0x0  }
.LBB2_2:
0x62: {  	s11 =	sadd.s32 $0x500, s5;
	[sflag:s8] =	ssyncadd.s32 $0xFFFF6000  }
0x63: {  	[tilespmem:s29], [sflag:$0x2] =	stream.indirect.gather [hbm4b:s3+s9], $0x20, s11, s9, $0xb8;
	[tilespmem:$0x1A400] =	vst v63  }
0x64: {  	s11 =	sadd.s32 $0x580, s5  }
0x65: {  	[tilespmem:s31], [sflag:$0x2] =	stream.indirect.gather [hbm4b:s3+s9], $0x20, s11, s9, $0xb8;
	[tilespmem:$0x1A400] =	vst v63  }
0x66: {  	s11 =	sadd.s32 $0x600, s5  }
0x67: {  	[tilespmem:s1], [sflag:$0x2] =	stream.indirect.gather [hbm4b:s3+s9], $0x20, s11, s9, $0xb8;
	[tilespmem:$0x1A400] =	vst v63  }
0x68: {  	s11 =	sadd.s32 $0x680, s5  }
0x69: {  	[tilespmem:s0], [sflag:$0x2] =	stream.indirect.gather [hbm4b:s3+s9], $0x20, s11, s9, $0xb8;
	[tilespmem:$0x1A400] =	vst v63  }
0x6a: {  	s11 =	sadd.s32 $0x700, s5  }
0x6b: {  	[tilespmem:s12], [sflag:$0x2] =	stream.indirect.gather [hbm4b:s3+s9], $0x20, s11, s9, $0xb8;
	[tilespmem:$0x1A400] =	vst v63  }
0x6c: {  	s11 =	sadd.s32 $0x780, s5  }
0x6d: {  	[tilespmem:s14], [sflag:$0x2] =	stream.indirect.gather [hbm4b:s3+s9], $0x20, s11, s9, $0xb8;
	[tilespmem:$0x1A400] =	vst v63  }
0x6e: {  	s11 =	sadd.s32 $0x800, s5  }
0x6f: {  	[tilespmem:s16], [sflag:$0x2] =	stream.indirect.gather [hbm4b:s3+s9], $0x20, s11, s9, $0xb8;
	[tilespmem:$0x1A400] =	vst v63  }
0x70: {  	s11 =	sadd.s32 $0x880, s5  }
0x71: {  	[tilespmem:s18], [sflag:$0x2] =	stream.indirect.gather [hbm4b:s3+s9], $0x20, s11, s9, $0xb8;
	[tilespmem:$0x1A400] =	vst v63  }
0x72: {  	s11 =	sadd.s32 $0x900, s5  }
0x73: {  	[tilespmem:s20], [sflag:$0x2] =	stream.indirect.gather [hbm4b:s3+s9], $0x20, s11, s9, $0xb8;
	[tilespmem:$0x1A400] =	vst v63  }
0x74: {  	s11 =	sadd.s32 $0x980, s5  }
0x75: {  	[tilespmem:s13], [sflag:$0x2] =	stream.indirect.gather [hbm4b:s3+s9], $0x20, s11, s9, $0xb8;
	[tilespmem:$0x1A400] =	vst v63  }
0x76: {  	s7 =	smov.u32 s6;
	_ =	swait.ge [sflag:s22], $0xA000  }
0x77: {  	s26 =	sadd.s32 $0x2800, s6;
	s11 =	rddreg [dreg:$0x3];
	[sflag:s22] =	ssyncset.done $0x0  }
0x78: {  	p0 =	sne.s32 s6, $0x14000;
	[sflag:s22] =	ssyncadd.s32 $0xFFFF6000;
	s6 =	sadd.s32 s4, s11  }
0x79: {  	[hbm4b:s6+s2] =	stream.linear.scatter [tilespmem:s10], [sflag:$0x3], $0xA000, $0x38;
	[tilespmem:$0x1A400] =	vst v63  }
0x7a: {  	_ =	swait.ge [sflag:s8], $0xA000  }
0x7b: {  	[sflag:s8] =	ssyncset.done $0x0  }
0x7c: {  	s11 =	sadd.s32 $0xA00, s5;
	[sflag:s8] =	ssyncadd.s32 $0xFFFF6000  }
0x7d: {  	[tilespmem:s10], [sflag:$0x1] =	stream.indirect.gather [hbm4b:s3+s9], $0x20, s11, s9, $0xb8;
	[tilespmem:$0x1A400] =	vst v63  }
0x7e: {  	s6 =	sadd.s32 $0xA80, s5;
	s11 =	simm.s32 $0x7400  }
0x7f: {  	[tilespmem:s11], [sflag:$0x1] =	stream.indirect.gather [hbm4b:s3+s9], $0x20, s6, s9, $0xb8;
	[tilespmem:$0x1A400] =	vst v63  }
0x80: {  	s11 =	sadd.s32 $0xB00, s5  }
0x81: {  	[tilespmem:s15], [sflag:$0x1] =	stream.indirect.gather [hbm4b:s3+s9], $0x20, s11, s9, $0xb8;
	[tilespmem:$0x1A400] =	vst v63  }
0x82: {  	s11 =	sadd.s32 $0xB80, s5  }
0x83: {  	[tilespmem:s17], [sflag:$0x1] =	stream.indirect.gather [hbm4b:s3+s9], $0x20, s11, s9, $0xb8;
	[tilespmem:$0x1A400] =	vst v63  }
0x84: {  	s11 =	sadd.s32 $0xC00, s5  }
0x85: {  	[tilespmem:s19], [sflag:$0x1] =	stream.indirect.gather [hbm4b:s3+s9], $0x20, s11, s9, $0xb8;
	[tilespmem:$0x1A400] =	vst v63  }
0x86: {  	s11 =	sadd.s32 $0xC80, s5  }
0x87: {  	[tilespmem:s21], [sflag:$0x1] =	stream.indirect.gather [hbm4b:s3+s9], $0x20, s11, s9, $0xb8;
	[tilespmem:$0x1A400] =	vst v63  }
0x88: {  	s11 =	sadd.s32 $0xD00, s5  }
0x89: {  	[tilespmem:s23], [sflag:$0x1] =	stream.indirect.gather [hbm4b:s3+s9], $0x20, s11, s9, $0xb8;
	[tilespmem:$0x1A400] =	vst v63  }
0x8a: {  	s11 =	sadd.s32 $0xD80, s5  }
0x8b: {  	[tilespmem:s25], [sflag:$0x1] =	stream.indirect.gather [hbm4b:s3+s9], $0x20, s11, s9, $0xb8;
	[tilespmem:$0x1A400] =	vst v63  }
0x8c: {  	s11 =	sadd.s32 $0xE00, s5  }
0x8d: {  	[tilespmem:s28], [sflag:$0x1] =	stream.indirect.gather [hbm4b:s3+s9], $0x20, s11, s9, $0xb8;
	[tilespmem:$0x1A400] =	vst v63  }
0x8e: {  	s6 =	sadd.s32 $0xE80, s5  }
0x8f: {  	[tilespmem:s30], [sflag:$0x1] =	stream.indirect.gather [hbm4b:s3+s9], $0x20, s6, s9, $0xb8;
	[tilespmem:$0x1A400] =	vst v63  }
0x90: {  	_ =	swait.ge [sflag:s24], $0xA000  }
.Ltmp0:
0x91: {  	s11 =	rddreg [dreg:$0x4];
	[sflag:s24] =	ssyncset.done $0x0;
	(pc) =	sbr.rel @p0 .LBB2_2-.Ltmp0, $4  }
0x92: {  	[sflag:s24] =	ssyncadd.s32 $0xFFFF6000;
	s5 =	sadd.s32 s4, s11  }
0x93: {  	[hbm4b:s5+s2] =	stream.linear.scatter [tilespmem:s29], [sflag:$0x3], $0xA000, $0x38;
	[tilespmem:$0x1A400] =	vst v63  }
0x94: {  	s4 =	smov.u32 s7;
	_ =	swait.ge [sflag:s8], $0xA000  }
0x95: {  	s6 =	smov.u32 s26;
	s5 =	sshra.s32 s4, $0x2;
	[sflag:s8] =	ssyncset.done $0x0  }
0x96: {  	s6 =	sadd.s32 $0x500, s5;
	[sflag:s8] =	ssyncadd.s32 $0xFFFF6000  }
0x97: {  	[tilespmem:s29], [sflag:$0x2] =	stream.indirect.gather [hbm4b:s3+s9], $0x20, s6, s9, $0xb8;
	[tilespmem:$0x1A400] =	vst v63  }
0x98: {  	s18 =	sadd.s32 $0x580, s5;
	s0 =	simm.s32 $0x11400  }
0x99: {  	[tilespmem:s0], [sflag:$0x2] =	stream.indirect.gather [hbm4b:s3+s9], $0x20, s18, s9, $0xb8;
	[tilespmem:$0x1A400] =	vst v63  }
0x9a: {  	s20 =	sadd.s32 $0x600, s5;
	s12 =	simm.s32 $0x12400  }
0x9b: {  	[tilespmem:s12], [sflag:$0x2] =	stream.indirect.gather [hbm4b:s3+s9], $0x20, s20, s9, $0xb8;
	[tilespmem:$0x1A400] =	vst v63  }
0x9c: {  	s26 =	sadd.s32 $0x680, s5;
	s14 =	simm.s32 $0x13400  }
0x9d: {  	[tilespmem:s14], [sflag:$0x2] =	stream.indirect.gather [hbm4b:s3+s9], $0x20, s26, s9, $0xb8;
	[tilespmem:$0x1A400] =	vst v63  }
0x9e: {  	s1 =	sadd.s32 $0x700, s5;
	s16 =	simm.s32 $0x14400  }
0x9f: {  	[tilespmem:s16], [sflag:$0x2] =	stream.indirect.gather [hbm4b:s3+s9], $0x20, s1, s9, $0xb8;
	[tilespmem:$0x1A400] =	vst v63  }
0xa0: {  	s7 =	sadd.s32 $0x780, s5;
	s18 =	simm.s32 $0x15400  }
0xa1: {  	[tilespmem:s18], [sflag:$0x2] =	stream.indirect.gather [hbm4b:s3+s9], $0x20, s7, s9, $0xb8;
	[tilespmem:$0x1A400] =	vst v63  }
0xa2: {  	s11 =	sadd.s32 $0x800, s5;
	s13 =	simm.s32 $0x16400  }
0xa3: {  	[tilespmem:s13], [sflag:$0x2] =	stream.indirect.gather [hbm4b:s3+s9], $0x20, s11, s9, $0xb8;
	[tilespmem:$0x1A400] =	vst v63  }
0xa4: {  	s20 =	sadd.s32 $0x880, s5;
	s7 =	simm.s32 $0x17400  }
0xa5: {  	[tilespmem:s7], [sflag:$0x2] =	stream.indirect.gather [hbm4b:s3+s9], $0x20, s20, s9, $0xb8;
	[tilespmem:$0x1A400] =	vst v63  }
0xa6: {  	s26 =	sadd.s32 $0x900, s5;
	s11 =	simm.s32 $0x18400  }
0xa7: {  	[tilespmem:s11], [sflag:$0x2] =	stream.indirect.gather [hbm4b:s3+s9], $0x20, s26, s9, $0xb8;
	[tilespmem:$0x1A400] =	vst v63  }
0xa8: {  	s1 =	sadd.s32 $0x980, s5;
	s26 =	simm.s32 $0x19400  }
0xa9: {  	[tilespmem:s26], [sflag:$0x2] =	stream.indirect.gather [hbm4b:s3+s9], $0x20, s1, s9, $0xb8;
	[tilespmem:$0x1A400] =	vst v63  }
0xaa: {  	_ =	swait.ge [sflag:s22], $0xA000  }
0xab: {  	s20 =	rddreg [dreg:$0x3];
	[sflag:s22] =	ssyncset.done $0x0  }
0xac: {  	[sflag:s22] =	ssyncadd.s32 $0xFFFF6000;
	s6 =	sadd.s32 s4, s20  }
0xad: {  	[hbm4b:s6+s2] =	stream.linear.scatter [tilespmem:s10], [sflag:$0x3], $0xA000, $0x38;
	[tilespmem:$0x1A400] =	vst v63  }
0xae: {  	_ =	swait.ge [sflag:s8], $0xA000  }
0xaf: {  	[sflag:s8] =	ssyncset.done $0x0  }
0xb0: {  	s1 =	sadd.s32 $0xA00, s5;
	[sflag:s8] =	ssyncadd.s32 $0xFFFF6000  }
0xb1: {  	[tilespmem:s10], [sflag:$0x1] =	stream.indirect.gather [hbm4b:s3+s9], $0x20, s1, s9, $0xb8;
	[tilespmem:$0x1A400] =	vst v63  }
0xb2: {  	s20 =	sadd.s32 $0xA80, s5;
	s1 =	simm.s32 $0x7400  }
0xb3: {  	[tilespmem:s1], [sflag:$0x1] =	stream.indirect.gather [hbm4b:s3+s9], $0x20, s20, s9, $0xb8;
	[tilespmem:$0x1A400] =	vst v63  }
0xb4: {  	s1 =	sadd.s32 $0xB00, s5  }
0xb5: {  	[tilespmem:s15], [sflag:$0x1] =	stream.indirect.gather [hbm4b:s3+s9], $0x20, s1, s9, $0xb8;
	[tilespmem:$0x1A400] =	vst v63  }
0xb6: {  	s15 =	sadd.s32 $0xB80, s5  }
0xb7: {  	[tilespmem:s17], [sflag:$0x1] =	stream.indirect.gather [hbm4b:s3+s9], $0x20, s15, s9, $0xb8;
	[tilespmem:$0x1A400] =	vst v63  }
0xb8: {  	s20 =	sadd.s32 $0xC00, s5  }
0xb9: {  	[tilespmem:s19], [sflag:$0x1] =	stream.indirect.gather [hbm4b:s3+s9], $0x20, s20, s9, $0xb8;
	[tilespmem:$0x1A400] =	vst v63  }
0xba: {  	s1 =	sadd.s32 $0xC80, s5  }
0xbb: {  	[tilespmem:s21], [sflag:$0x1] =	stream.indirect.gather [hbm4b:s3+s9], $0x20, s1, s9, $0xb8;
	[tilespmem:$0x1A400] =	vst v63  }
0xbc: {  	s15 =	sadd.s32 $0xD00, s5  }
0xbd: {  	[tilespmem:s23], [sflag:$0x1] =	stream.indirect.gather [hbm4b:s3+s9], $0x20, s15, s9, $0xb8;
	[tilespmem:$0x1A400] =	vst v63  }
0xbe: {  	s20 =	sadd.s32 $0xD80, s5  }
0xbf: {  	[tilespmem:s25], [sflag:$0x1] =	stream.indirect.gather [hbm4b:s3+s9], $0x20, s20, s9, $0xb8;
	[tilespmem:$0x1A400] =	vst v63  }
0xc0: {  	s25 =	sadd.s32 $0xE00, s5  }
0xc1: {  	[tilespmem:s28], [sflag:$0x1] =	stream.indirect.gather [hbm4b:s3+s9], $0x20, s25, s9, $0xb8;
	[tilespmem:$0x1A400] =	vst v63  }
0xc2: {  	s28 =	sadd.s32 $0xE80, s5  }
0xc3: {  	[tilespmem:s30], [sflag:$0x1] =	stream.indirect.gather [hbm4b:s3+s9], $0x20, s28, s9, $0xb8;
	[tilespmem:$0x1A400] =	vst v63  }
0xc4: {  	_ =	swait.ge [sflag:s24], $0xA000  }
0xc5: {  	s1 =	rddreg [dreg:$0x4];
	[sflag:s24] =	ssyncset.done $0x0  }
0xc6: {  	s5 =	sadd.s32 s4, s1;
	[sflag:s24] =	ssyncadd.s32 $0xFFFF6000  }
0xc7: {  	[hbm4b:s5+s2] =	stream.linear.scatter [tilespmem:s29], [sflag:$0x3], $0xA000, $0x38;
	[tilespmem:$0x1A400] =	vst v63  }
0xc8: {  	_ =	swait.ge [sflag:s8], $0xA000  }
0xc9: {  	[sflag:s8] =	ssyncset.done $0x0  }
0xca: {  	s6 =	simm.s32 $0x5F00;
	[sflag:s8] =	ssyncadd.s32 $0xFFFF6000  }
0xcb: {  	[tilespmem:s29], [sflag:$0x2] =	stream.indirect.gather [hbm4b:s3+s9], $0x20, s6, s9, $0xb8;
	[tilespmem:$0x1A400] =	vst v63  }
0xcc: {  	s15 =	simm.s32 $0x5F80  }
0xcd: {  	[tilespmem:s0], [sflag:$0x2] =	stream.indirect.gather [hbm4b:s3+s9], $0x20, s15, s9, $0xb8;
	[tilespmem:$0x1A400] =	vst v63  }
0xce: {  	s20 =	simm.s32 $0x6000  }
0xcf: {  	[tilespmem:s12], [sflag:$0x2] =	stream.indirect.gather [hbm4b:s3+s9], $0x20, s20, s9, $0xb8;
	[tilespmem:$0x1A400] =	vst v63  }
0xd0: {  	s25 =	simm.s32 $0x6080  }
0xd1: {  	[tilespmem:s14], [sflag:$0x2] =	stream.indirect.gather [hbm4b:s3+s9], $0x20, s25, s9, $0xb8;
	[tilespmem:$0x1A400] =	vst v63  }
0xd2: {  	s28 =	simm.s32 $0x6100  }
0xd3: {  	[tilespmem:s16], [sflag:$0x2] =	stream.indirect.gather [hbm4b:s3+s9], $0x20, s28, s9, $0xb8;
	[tilespmem:$0x1A400] =	vst v63  }
0xd4: {  	s30 =	simm.s32 $0x6180  }
0xd5: {  	[tilespmem:s18], [sflag:$0x2] =	stream.indirect.gather [hbm4b:s3+s9], $0x20, s30, s9, $0xb8;
	[tilespmem:$0x1A400] =	vst v63  }
0xd6: {  	s5 =	simm.s32 $0x6200  }
0xd7: {  	[tilespmem:s13], [sflag:$0x2] =	stream.indirect.gather [hbm4b:s3+s9], $0x20, s5, s9, $0xb8;
	[tilespmem:$0x1A400] =	vst v63  }
0xd8: {  	s6 =	simm.s32 $0x6280  }
0xd9: {  	[tilespmem:s7], [sflag:$0x2] =	stream.indirect.gather [hbm4b:s3+s9], $0x20, s6, s9, $0xb8;
	[tilespmem:$0x1A400] =	vst v63  }
0xda: {  	s13 =	simm.s32 $0x6300  }
0xdb: {  	[tilespmem:s11], [sflag:$0x2] =	stream.indirect.gather [hbm4b:s3+s9], $0x20, s13, s9, $0xb8;
	[tilespmem:$0x1A400] =	vst v63  }
0xdc: {  	s15 =	simm.s32 $0x6380  }
0xdd: {  	[tilespmem:s26], [sflag:$0x2] =	stream.indirect.gather [hbm4b:s3+s9], $0x20, s15, s9, $0xb8;
	[tilespmem:$0x1A400] =	vst v63  }
0xde: {  	_ =	swait.ge [sflag:s22], $0xA000  }
0xdf: {  	[sflag:s22] =	ssyncset.done $0x0  }
0xe0: {  	s25 =	rddreg [dreg:$0x7];
	[sflag:s22] =	ssyncadd.s32 $0xFFFF6000  }
0xe1: {  	[hbm4b:s25+s2] =	stream.linear.scatter [tilespmem:s10], [sflag:$0x3], $0xA000, $0x38;
	[tilespmem:$0x1A400] =	vst v63  }
0xe2: {  	_ =	swait.ge [sflag:s8], $0xA000  }
0xe3: {  	[sflag:s8] =	ssyncset.done $0x0  }
0xe4: {  	[sflag:s8] =	ssyncadd.s32 $0xFFFF6000  }
0xe5: {  	_ =	swait.ge [sflag:s24], $0xA000  }
0xe6: {  	[sflag:s24] =	ssyncset.done $0x0  }
0xe7: {  	s26 =	rddreg [dreg:$0x8];
	[sflag:s24] =	ssyncadd.s32 $0xFFFF6000  }
0xe8: {  	[hbm4b:s26+s2] =	stream.linear.scatter [tilespmem:s29], [sflag:$0x3], $0xA000, $0x38;
	[tilespmem:$0x1A400] =	vst v63  }
0xe9: {  	_ =	swait.ge [sflag:s8], $0xA000  }
0xea: {  	s28 =	rddreg [dreg:$0x9]  }
0xeb: {  	s30 =	rddreg [dreg:$0x6];
	s5 =	sadd.s32 $0x1, s28  }
0xec: {  	p0 =	sne.s32 s5, s30  }
.Ltmp1:
0xed: {  	_ = 	snop;
	(pc) =	sbr.rel @p0 .LBB2_1-.Ltmp1, $4  }
0xee: {  	s31 =	simm.s32 $0x11400;
	s1 =	simm.s32 $0x12400  }
0xef: {  	s0 =	simm.s32 $0x13400;
	s12 =	simm.s32 $0x14400;
	s20 =	simm.s32 $0x18400  }
0xf0: {  	s14 =	simm.s32 $0x15400;
	s16 =	simm.s32 $0x16400;
	[sflag:s8] =	ssyncset.done $0x0  }
0xf1: {  	s18 =	simm.s32 $0x17400;
	s13 =	simm.s32 $0x19400;
	[sflag:s8] =	ssyncadd.s32 $0xFFFF6000  }
0xf2: {  	_ =	sfence.sel $0x180000  }
0xf3: {  	[bflag:$0x0] =	sbarrier.arrive $0xFFFF  }
0xf4: {  	_ =	strace $0x90000047  }
0xf5: {  	s0 =	stileid.u32;
	[bflag:$0x2] =	sbarrier.arrive $0xFFFF  }
0xf6: {  	p0 =	sne.s32 s0, $0x0;
	s0 =	rddreg [dreg:$0x2]  }
0xf7: {  	s0 =	sadd.s32 @!p0 $0x100000, s0  }
0xf8: {  	[sflag:s0] =	ssyncadd.tile.s32 @!p0 $0x1;
	_ =	shalt  }
.Lfunc_end2:
_tile_overlayer_lowered:
.L_overlay_start_2:
0xf9: {  	(tag) =	ssettag $0x2  }
0xfa: {  	s0 =	rddreg [dreg:$0x0];
	s2 =	stileid.u32  }
0xfb: {  	s1 =	rddreg [dreg:$0x1];
	p0 =	sne.s32 s2, $0x0  }
0xfc: {  	s3 =	rddreg [dreg:$0x2];
	[bflag:$0x3] =	sbarrier.arrive $0xFFFF;
	s2 =	simm.s32 @!p0 $0x1C03  }
0xfd: {  	[timem:s3], [sflag:s2] =	dma.local @!p0 [hbm:s0], s1  }
0xfe: {  	s0 =	simm.s32 @!p0 $0x3  }
0xff: {  	_ =	swait.ge @!p0 [sflag:s0], s1  }
0x100: {  	s1 =	ssub.s32 @!p0 $0x0, s1;
	[sflag:s0] =	ssyncset.done @!p0 $0x0  }
0x101: {  	[sflag:s0] =	ssyncadd.s32 @!p0 s1  }
0x102: {  	[bflag:$0x3] =	sbarrier.arrive $0xFFFF  }
0x103: {  	_ =	shalt  }

// kernel: sparse-core-data-format-call.cloned.1.call-start
scs
called_computation_lowered:
.L_overlay_start_0:
0x0: {  	s2 =	sld [smem:$0x3FD9]  }
0x1: {  	s3 =	sld [smem:$0x3FFE];
	_ =	sdelay $0x1  }
0x2: {  	s1 =	srdreg.scid  }
0x3: {  	s0 =	sand.u32 $0x1, s1  }
0x4: {  	s18 =	sshll.u32 s0, $0xA;
	s2 =	sadd.s32 s3, s2  }
0x5: {  	s2 =	sadd.s32 s2, s18  }
0x6: {  	[smem:$0x3FC6] =	sst s2  }
0x7: {  	_ = 	snop  }
0x8: {  	s2 =	sld [smem:$0x3FD0];
	(tm) =	ssettm $0x1  }
0x9: {  	s19 =	sld [smem:$0x3FFB];
	_ =	sdelay $0x3  }
0xa: {  	_ =	strace s19  }
0xb: {  	s3 =	sld [smem:$0x3FFC];
	_ =	sdelay $0x3  }
0xc: {  	_ =	strace s3  }
0xd: {  	s3 =	sld [smem:$0x3FFD];
	_ =	sdelay $0x3  }
0xe: {  	_ =	strace s3  }
0xf: {  	_ =	strace $0x8FFFFFFF  }
0x10: {  	s20 =	sld [smem:$0x3FDB];
	_ =	sdelay $0x1  }
0x11: {  	s4 =	simm.s32 $_scs_section_size  }
0x12: {  	s5 =	simm.s32 $_size__tile_overlayer_lowered;
	s6 =	simm.s32 $_tile_overlayer_lowered  }
0x13: {  	s23 =	simm.s32 $0x1BFF;
	s22 =	sshll.u32 s6, $0x1;
	s3 =	sadd.s32 s4, s20  }
0x14: {  	s7 =	simm.s32 $0x0;
	s21 =	sshll.u32 s5, $0x1;
	s5 =	sadd.s32 s22, s3  }
0x15: {  	[timem:s7], [sflag:s23] =	dma.local [hbm:s5], s21  }
0x16: {  	_ =	swait.ge [sflag:s23], s21  }
0x17: {  	s4 =	ssub.s32 $0x0, s21;
	[sflag:s23] =	ssyncset.done $0x0  }
0x18: {  	[sflag:s23] =	ssyncadd.s32 s4;
	_ =	sdelay $0x1  }
0x19: {  	s24 =	simm.s32 $0x1B8B  }
0x1a: {  	_ =	swait.ge [sflag:s24], $0x1  }
0x1b: {  	[sflag:s24] =	ssyncset.done $0x0  }
0x1c: {  	s26 =	simm.s32 $0x1B8E;
	s25 =	sld [smem:$0x3FFE];
	[sflag:s24] =	ssyncadd.s32 $0xFFFFFFFF  }
0x1d: {  	s27 =	simm.s32 $execute0_lowered;
	[smem:$0x3FD2] =	sst s26  }
0x1e: {  	s5 =	sshll.u32 s27, $0x1;
	_ =	strace $0x80000049;
	[dreg:$0x1] =	wrdreg $0xFFFFFFFF  }
0x1f: {  	s28 =	simm.s32 $_size_execute0_lowered;
	s3 =	sadd.s32 s3, s5;
	[dreg:$0x0] =	wrdreg $0x0  }
0x20: {  	s5 =	sshll.u32 s28, $0x1;
	[dreg:$0x2] =	wrdreg s3  }
0x21: {  	[dreg:$0x3] =	wrdreg s5  }
0x22: {  	[dreg:$0x4] =	wrdreg $0xC0  }
0x23: {  	_ =	task [dreg:s7], $0x5FFFF  }
0x24: {  	[dreg:$0x1] =	wrdreg $0xFFFFFFFF  }
0x25: {  	[dreg:$0x0] =	wrdreg $0x60  }
0x26: {  	[dreg:$0x2] =	wrdreg s25  }
0x27: {  	[dreg:$0x3] =	wrdreg s2  }
0x28: {  	[dreg:$0x4] =	wrdreg $0x9  }
0x29: {  	_ =	task.clear_ibuf [dreg:s7], $0x5FFFF;
	_ =	strace $0x90000049  }
0x2a: {  	s29 =	simm.s32 $0x9;
	_ =	strace $0x8000004B  }
0x2b: {  	_ =	swait.ge [sflag:s29], $0x1  }
0x2c: {  	[sflag:s29] =	ssyncadd.s32 $0xFFFFFFFF  }
0x2d: {  	_ =	strace $0x9000004B  }
0x2e: {  	_ =	sfence  }
0x2f: {  	s30 =	sld [smem:$0x0];
	_ =	sdelay $0x2  }
0x30: {  	s31 =	sshll.u32 s1, $0xD;
	s1 =	sshrl.u32 s1, $0x2  }
0x31: {  	s3 =	sand.u32 $0x4000, s31;
	s1 =	sadd.s32 s1, s30  }
0x32: {  	s0 =	sor.u32 s3, s0;
	s1 =	sshll.u32 s1, $0x11  }
0x33: {  	s0 =	sor.u32 s1, s0  }
0x34: {  	s0 =	sadd.s32 $0x8F2B, s0  }
0x35: {  	[sflag:s0] =	ssyncadd.remote.s32 $0x1  }
0x36: {  	_ =	sfence.sel $0xFFFF  }
0x37: {  	[dreg:$0x0] =	wrdreg $0xFFFFFFFF;
	(pc) =	sbr.abs _section_cstart, $3  }
0x38: {  	[dreg:$0x1] =	wrdreg $0xFFFFFFFF  }
0x39: {  	_ =	task.clear_ibuf [dreg:s7], $0x2FFFF;
	_ =	strace $0x9FFFFFFF  }
0x3a: {  	(tm) =	ssettm $0x7FFFFFFF  }
0x3b: {  	_ =	shalt  }
tec
execute0_lowered:
.L_overlay_start_1:
0x0: {  	(tag) =	ssettag $0x1  }
0x1: {  	s0 =	srdreg.scid  }
0x2: {  	s1 =	sshll.u32 s0, $0x4  }
0x3: {  	s0 =	stileid.u32;
	s1 =	sand.u32 $0x10, s1  }
0x4: {  	s1 =	sor.u32 s0, s1  }
0x5: {  	s6 =	rddreg [dreg:$0x0];
	s4 =	simm.s32 $0x1;
	s2 =	sshll.u32 s1, $0x7  }
0x6: {  	s7 =	simm.s32 $0x2;
	s12 =	simm.s32 $0x0;
	s1 =	ssub.s32 $0x1000, s2  }
0x7: {  	s8 =	simm.s32 $0x8000;
	s13 =	simm.s32 $0x0;
	s3 =	sand.u32 $0xF80, s1  }
0x8: {  	s9 =	simm.s32 $0x0;
	s5 =	sshrl.u32 s1, $0xC;
	p0 =	sne.s32 s3, $0x0  }
.Ltmp0:
0x9: {  	s1 =	rddreg [dreg:$0x2];
	s4 =	simm.s32 @!p0 $0x0;
	(pc) =	sbr.rel .LBB1_1-.Ltmp0, $4  }
0xa: {  	s11 =	simm.s32 $0x0;
	s3 =	rddreg [dreg:$0x1];
	s5 =	sadd.s32 s4, s5  }
0xb: {  	_ =	strace $0x8000004A;
	s4 =	simm.s32 $0x1;
	s5 =	smul.u32 $0xC8, s5  }
0xc: {  	s6 =	sadd.s32 $0xA00, s6;
	s10 =	smov.u32 s2;
	[sflag:s4] =	ssyncpa.u1 $0x0  }
0xd: {  	p0 =	por $0x0, $0x0;
	[sflag:s7] =	ssyncpa.u1 $0x0;
	s7 =	sor.u32 $0x1, s5  }
.LBB1_4:
0xe: {  	s16 =	sshll.u32 s13, $0x3;
	s17 =	sand.u32 $0x78, s13  }
0xf: {  	s30 =	sand.u32 $0x3E00, s13;
	s12 =	sshll.u32 s12, $0xE;
	s16 =	sand.u32 $0xC00, s16  }
0x10: {  	s31 =	sand.u32 $0x7, s13;
	s16 =	sor.u32 s17, s16;
	s17 =	sadd.s32 s3, s30  }
0x11: {  	s13 =	sshll.u32 s31, $0x12;
	s16 =	sshrl.u32 s16, $0x3;
	s12 =	sadd.s32 s12, s17  }
0x12: {  	[tilespmem:s15+$0x0 ss:$0x81] =	vst.msk $0xffff, v0;
	s13 =	sor.u32 $0x400, s13;
	s12 =	sadd.s32 s16, s12  }
0x13: {  	[hbm4b:s12+s13] =	stream.strided.scatter [tilespmem:s14], [sflag:$0x2], $0x1000, s8, s13, $0x20;
	[tilespmem:$0x4040] =	vst v63  }
.LBB1_5:
0x14: {  	s14 =	sadd.s32 $0x1, s9  }
0x15: {  	s12 =	sadd.s32 $0x1000, s10;
	s16 =	smov.u32 s10;
	p2 =	sgt.s32 s14, $0xC7  }
0x16: {  	s16 =	smov.u32 @p2 s12  }
0x17: {  	s14 =	simm.s32 @p2 $0x0;
	p2 =	sgt.s32 s16, $0xFFF  }
0x18: {  	s16 =	smov.u32 @p2 s2;
	p2 =	sne.s32 s11, s7  }
.Ltmp1:
0x19: {  	p1 =	slt.u32 s11, $0x2;
	(pc) =	sbr.rel @!p2 .LBB1_6-.Ltmp1, $4  }
0x1a: {  	s15 =	simm.s32 @!p1 $0x2  }
0x1b: {  	s13 =	smov.u32 s10;
	p0 =	por !p0, !p0;
	_ =	swait.ge @!p1 [sflag:s15], $0x1000  }
0x1c: {  	s12 =	smov.u32 s9;
	[sflag:s15] =	ssyncset.done @!p1 $0x0;
	s9 =	smov.u32 s14  }
0x1d: {  	s11 =	sadd.s32 $0x1, s11;
	[sflag:s15] =	ssyncadd.s32 @!p1 $0xFFFFF000;
	s10 =	smov.u32 s16  }
.LBB1_1:
0x1e: {  	p1 =	sge.u32 s11, s5  }
0x1f: {  	s14 =	sand.u32 @!p1 $0x1FFFFFF, s9  }
0x20: {  	s15 =	smulhi.u32 @!p1 $0x147AE15, s14;
	_ =	sdelay $0x1  }
0x21: {  	s15 =	smul.u32 @!p1 $0xC8, s15  }
0x22: {  	s16 =	sxor.u32 @!p1 $0xFFFFFFFF, s11;
	s17 =	smul.u32 @!p1 $0xC80, s10  }
0x23: {  	s31 =	sadd.s32 $0xFFFFFFFF, s11;
	s16 =	sshll.u32 @!p1 s16, $0xC;
	s14 =	ssub.s32 @!p1 s14, s15  }
0x24: {  	s15 =	sand.u32 @!p1 $0x1000, s16;
	s16 =	sadd.s32 @!p1 s6, s17;
	s14 =	sshll.u32 @!p1 s14, $0x4  }
0x25: {  	s17 =	simm.s32 @!p1 $0x6400;
	s14 =	sadd.s32 @!p1 s14, s16;
	s16 =	simm.s32 @!p1 $0x20  }
0x26: {  	[tilespmem:s15], [sflag:$0x1] =	stream.strided.gather @!p1 [hbm4b:s14+s16], $0x1000, s17, s16, $0x38;
	[tilespmem:$0x4040] =	vst v63  }
0x27: {  	p1 =	sge.u32 s31, s5  }
.Ltmp2:
0x28: {  	_ = 	snop;
	(pc) =	sbr.rel @p1 .LBB1_5-.Ltmp2, $1  }
0x29: {  	_ =	sdelay $0x3  }
0x2a: {  	s14 =	simm.s32 $0x1  }
0x2b: {  	_ =	swait.ge [sflag:s4], $0x1000;
	s14 =	simm.s32 @!p0 $0x0  }
0x2c: {  	[sflag:s4] =	ssyncset.done $0x0;
	s15 =	sshll.u32 s14, $0xC  }
0x2d: {  	[sflag:s4] =	ssyncadd.s32 $0xFFFFF000;
	s18 =	sor.u32 $0x10, s15  }
0x2e: {  	s14 =	smul.u32 $0x4080, s14;
	v1 =	vld [tilespmem:s18+$0x0]  }
0x2f: {  	s30 =	sand.u32 $0x1, s11;
	v0 =	vld [tilespmem:s18+$0xFFFFFFF0]  }
0x30: {  	s15 =	smul.u32 $0x4080, s30;
	s14 =	sshrl.u32 s14, $0x2  }
0x31: {  	s16 =	sor.u32 $0x2000, s14  }
0x32: {  	s31 =	sshrl.u32 s15, $0x2;
	s15 =	sadd.s32 $0x0, s16  }
0x33: {  	s17 =	simm.s32 $0x4;
	s18 =	sadd.s32 $0x20, s18;
	s14 =	sor.u32 $0x2000, s31;
	[tilespmem:s15+$0x810 ss:$0x81] =	vst.msk $0xffff, v1  }
.LBB1_3:
0x34: {  	v1 =	vld [tilespmem:s18+$0x0];
	p1 =	sne.s32 s17, $0x1FC;
	[tilespmem:s15+$0x0 ss:$0x81] =	vst.msk $0xffff, v0;
	s15 =	smov.u32 s17;
	s17 =	sadd.s32 $0x4, s17  }
.Ltmp3:
0x35: {  	v0 =	vld [tilespmem:s18+$0xFFFFFFF0];
	(pc) =	sbr.rel @p1 .LBB1_3-.Ltmp3, $4  }
0x36: {  	_ = 	snop  }
0x37: {  	s15 =	sshra.s32 s15, $0x2  }
0x38: {  	s15 =	sadd.s32 s15, s16  }
0x39: {  	s18 =	sadd.s32 $0x20, s18;
	[tilespmem:s15+$0x810 ss:$0x81] =	vst.msk $0xffff, v1  }
.Ltmp4:
0x3a: {  	_ = 	snop;
	(pc) =	sbr.rel .LBB1_4-.Ltmp4, $1  }
0x3b: {  	_ =	sdelay $0x3  }
.LBB1_6:
0x3c: {  	_ =	sfence.sel $0x180000  }
0x3d: {  	s2 =	simm.s32 $0x1;
	[bflag:$0x0] =	sbarrier.arrive $0xFFFF  }
0x3e: {  	s31 =	simm.s32 $0x2;
	[sflag:s2] =	ssyncpa.u1 $0x1  }
0x3f: {  	[sflag:s31] =	ssyncpa.u1 $0x1  }
0x40: {  	p0 =	sne.s32 s0, $0x0;
	_ =	strace $0x9000004A  }
0x41: {  	s0 =	sadd.s32 @!p0 $0x100000, s1;
	[bflag:$0x2] =	sbarrier.arrive $0xFFFF  }
0x42: {  	[sflag:s0] =	ssyncadd.tile.s32 @!p0 $0x1;
	_ =	shalt  }
.Lfunc_end1:
_tile_overlayer_lowered:
.L_overlay_start_2:
0x43: {  	(tag) =	ssettag $0x2  }
0x44: {  	s0 =	rddreg [dreg:$0x0];
	s2 =	stileid.u32  }
0x45: {  	s1 =	rddreg [dreg:$0x1];
	p0 =	sne.s32 s2, $0x0  }
0x46: {  	s3 =	rddreg [dreg:$0x2];
	[bflag:$0x3] =	sbarrier.arrive $0xFFFF;
	s2 =	simm.s32 @!p0 $0x1C01  }
0x47: {  	[timem:s3], [sflag:s2] =	dma.local @!p0 [hbm:s0], s1  }
0x48: {  	s0 =	simm.s32 @!p0 $0x1  }
0x49: {  	_ =	swait.ge @!p0 [sflag:s0], s1  }
0x4a: {  	s1 =	ssub.s32 @!p0 $0x0, s1;
	[sflag:s0] =	ssyncset.done @!p0 $0x0  }
0x4b: {  	[sflag:s0] =	ssyncadd.s32 @!p0 s1  }
0x4c: {  	[bflag:$0x3] =	sbarrier.arrive $0xFFFF  }
0x4d: {  	_ =	shalt  }

</sc_bundles>
